<compile_context>
chip_gen: v7x
topology: tpu7x:2x2x1
jax: 0.10.2.dev20260603
libtpu: 0.0.44.dev20260713+nightly
codegen_flags: <defaults>
</compile_context>

<pallas_src>
import numpy as np
import jax
import jax.numpy as jnp
from jax import lax
from jax.experimental import pallas as pl
from jax.experimental.pallas import tpu as pltpu
from jax.experimental.pallas import tpu_sc as plsc

L = 8192
NBINS = 180
NPAD = 192
K = 50
KPAD = 64
ROWS = 128
NW = 32
RPW = ROWS // NW
NV = NPAD // 16
NCHUNK = 2
CHUNK = L // NCHUNK

_n = np.arange(L)
_k = np.arange(NBINS)
_ang = (2.0 * np.pi / L) * ((_k[:, None] * _n[None, :]) % L).astype(np.float64)
_TRIG_T = np.ascontiguousarray(
    np.concatenate([np.cos(_ang), np.sin(_ang)], axis=0).T.astype(np.float32))


def _dft_body(x_ref, trig_ref, mag_ref, acc_ref):
    i = pl.program_id(0)

    @pl.when(i == 0)
    def _init():
        acc_ref[...] = jnp.zeros((ROWS, 2 * NBINS), jnp.float32)

    acc_ref[...] += jnp.dot(x_ref[...], trig_ref[...],
                            preferred_element_type=jnp.float32,
                            precision=lax.Precision.HIGHEST)

    @pl.when(i == NCHUNK - 1)
    def _finish():
        res = acc_ref[...]
        re = res[:, :NBINS]
        im = res[:, NBINS:]
        mag2 = re * re + im * im
        col = lax.broadcasted_iota(jnp.int32, (ROWS, NPAD), 1)
        mag2p = jnp.concatenate(
            [mag2, jnp.full((ROWS, NPAD - NBINS), -1.0, jnp.float32)], axis=1)
        mag_ref[...] = jnp.where(col == 0, -1.0, mag2p)


def _sc_topk_body(mag_hbm, out_hbm, vals_v, out_v, rotf_v, roti_v):
    wid = lax.axis_index("s") * 2 + lax.axis_index("c")
    base = wid * (RPW * NPAD)
    pltpu.sync_copy(mag_hbm.at[pl.ds(base, RPW * NPAD)], vals_v)

    lane = lax.iota(jnp.int32, 16)
    NQ = KPAD // 16

    def argmax_pair(vs, sbase):
        mv, mi = vs[0], lane
        for j in range(1, NV):
            nv, ni = vs[j], lane + 16 * j
            c = nv >= mv
            mv = jnp.where(c, nv, mv)
            mi = jnp.where(c, ni, mi)
        for d in (8, 4, 2, 1):
            rotf_v[pl.ds(sbase, 16)] = mv
            rotf_v[pl.ds(sbase + 16, 16)] = mv
            roti_v[pl.ds(sbase, 16)] = mi
            roti_v[pl.ds(sbase + 16, 16)] = mi
            rv = rotf_v[pl.ds(sbase + d, 16)]
            ri = roti_v[pl.ds(sbase + d, 16)]
            c = (rv > mv) | ((rv == mv) & (ri > mi))
            mv = jnp.where(c, rv, mv)
            mi = jnp.where(c, ri, mi)
        return mi

    for r2 in range(RPW // 2):
        vsA = tuple(vals_v[pl.ds((2 * r2) * NPAD + 16 * j, 16)]
                    for j in range(NV))
        vsB = tuple(vals_v[pl.ds((2 * r2 + 1) * NPAD + 16 * j, 16)]
                    for j in range(NV))
        zero = tuple(jnp.zeros((16,), jnp.float32) for _ in range(NQ))

        def step(t, carry):
            vsA = carry[:NV]
            vsB = carry[NV:2 * NV]
            outA = carry[2 * NV:2 * NV + NQ]
            outB = carry[2 * NV + NQ:]
            bestA = argmax_pair(vsA, 0)
            bestB = argmax_pair(vsB, 32)
            opos = jnp.full((16,), K - 1, jnp.int32) - t
            outA = tuple(jnp.where(lane + 16 * q == opos,
                                   bestA.astype(jnp.float32), outA[q])
                         for q in range(NQ))
            outB = tuple(jnp.where(lane + 16 * q == opos,
                                   bestB.astype(jnp.float32), outB[q])
                         for q in range(NQ))
            vsA = tuple(jnp.where(lane + 16 * j == bestA, -2.0, vsA[j])
                        for j in range(NV))
            vsB = tuple(jnp.where(lane + 16 * j == bestB, -2.0, vsB[j])
                        for j in range(NV))
            return vsA + vsB + outA + outB

        fin = lax.fori_loop(0, K, step, vsA + vsB + zero + zero)
        for q in range(NQ):
            out_v[pl.ds((2 * r2) * KPAD + 16 * q, 16)] = fin[2 * NV + q]
            out_v[pl.ds((2 * r2 + 1) * KPAD + 16 * q, 16)] = \
                fin[2 * NV + NQ + q]

    pltpu.sync_copy(out_v, out_hbm.at[pl.ds(wid * (RPW * KPAD), RPW * KPAD)])


def _linear_body(x_ref, w1t_ref, b1_ref, w2t_ref, b2_ref, out_ref):
    l1 = jnp.dot(x_ref[...][:, :K], w1t_ref[...],
                 preferred_element_type=jnp.float32,
                 precision=lax.Precision.HIGHEST) + b1_ref[...]
    l2 = jnp.dot(l1, w2t_ref[...], preferred_element_type=jnp.float32,
                 precision=lax.Precision.HIGHEST) + b2_ref[...]
    out_ref[...] = l2


def kernel(ple_input, W1, b1, W2, b2):
    x = ple_input.reshape(ROWS, L)
    trig = jnp.asarray(_TRIG_T)

    mag2p = pl.pallas_call(
        _dft_body,
        grid=(NCHUNK,),
        in_specs=[
            pl.BlockSpec((ROWS, CHUNK), lambda i: (0, i)),
            pl.BlockSpec((CHUNK, 2 * NBINS), lambda i: (i, 0)),
        ],
        out_specs=pl.BlockSpec((ROWS, NPAD), lambda i: (0, 0)),
        scratch_shapes=[pltpu.VMEM((ROWS, 2 * NBINS), jnp.float32)],
        out_shape=jax.ShapeDtypeStruct((ROWS, NPAD), jnp.float32),
    )(x, trig)

    mesh = plsc.VectorSubcoreMesh(core_axis_name="c", subcore_axis_name="s")
    idx_flat = pl.kernel(
        _sc_topk_body,
        mesh=mesh,
        out_type=jax.ShapeDtypeStruct((ROWS * KPAD,), jnp.float32),
        scratch_types=[
            pltpu.VMEM((RPW * NPAD,), jnp.float32),
            pltpu.VMEM((RPW * KPAD,), jnp.float32),
            pltpu.VMEM((64,), jnp.float32),
            pltpu.VMEM((64,), jnp.int32),
        ],
    )(mag2p.reshape(ROWS * NPAD))

    x50 = idx_flat.reshape(ROWS, KPAD)
    return pl.pallas_call(
        _linear_body,
        out_shape=jax.ShapeDtypeStruct((ROWS, 90), jnp.float32),
    )(x50, W1.T, b1.reshape(1, 70), W2.T, b2.reshape(1, 90))

# --- scband reference (transcript-rebuilt; emitter-appended) ---
"""Pipeline reference for scband-frequency-block-27401891348801 (READ-ONLY COPY).

The authoritative reference and input builder live on the scoring server;
editing this copy changes nothing except your own understanding.
"""

import jax, jax.numpy as jnp
import numpy as np


def setup_inputs(seed: int = 0) -> dict:
    key = jax.random.key(seed)
    k1, k2, k3 = jax.random.split(key, 3)
    ple_input = jax.random.normal(k1, (128, 1, 8192), dtype=jnp.float32)
    # learned params used in forward: linear1 (50->70), linear2 (70->90)
    W1 = jax.random.normal(k2, (70, 50), dtype=jnp.float32) * 0.1
    b1 = jnp.zeros((70,), dtype=jnp.float32)
    W2 = jax.random.normal(k3, (90, 70), dtype=jnp.float32) * 0.1
    b2 = jnp.zeros((90,), dtype=jnp.float32)
    return {"ple_input": ple_input, "W1": W1, "b1": b1, "W2": W2, "b2": b2}


def reference(ple_input, W1, b1, W2, b2):
    # f = fft(x - mean(x, axis=2, keepdims=True), norm='forward')
    L = ple_input.shape[-1]
    f = jnp.fft.fft(ple_input - jnp.mean(ple_input, axis=2, keepdims=True), norm='forward')
    # f1 = (abs(f) * (2 / L))[:, :, :180]
    f1 = (jnp.abs(f) * (2.0 / L))[:, :, :180]
    # freq = f1.argsort()[:, :, -50:]  (indices of top-50 largest magnitudes)
    freq = jnp.argsort(f1, axis=-1)[:, :, -50:]
    # l1 = linear1(squeeze(freq).float()); l2 = linear2(l1)
    x = jnp.squeeze(freq).astype(jnp.float32)  # [128, 50] since C == 1
    l1 = x @ W1.T + b1
    l2 = l1 @ W2.T + b2
    return l2

if __name__ == "__main__":
    import jax
    _d = setup_inputs()
    print(jax.jit(kernel)(*tuple(_d.values())))

</pallas_src>

<mosaic_0001>
#map = affine_map<(d0, d1) -> (0)>
module attributes {stable_mosaic.version = 14 : i64} {
  func.func @_sc_topk_body(%arg0: i32, %arg1: i32, %arg2: memref<24576xf32, #tpu.memory_space<hbm>>, %arg3: memref<8192xf32, #tpu.memory_space<hbm>>, %arg4: memref<768xf32, #tpu.memory_space<vmem>>, %arg5: memref<256xf32, #tpu.memory_space<vmem>>, %arg6: memref<64xf32, #tpu.memory_space<vmem>>, %arg7: memref<64xi32, #tpu.memory_space<vmem>>) attributes {dimension_semantics = [#tpu.dimension_semantics<core_parallel>, #tpu.dimension_semantics<subcore_parallel>], iteration_bounds = array<i64: 2, 16>, scalar_prefetch = 0 : i64, scratch_operands = 4 : i64, tpu.core_type = #tpu.core_type<sc_vector_subcore>, window_params = [{transform_indices = #map}, {transform_indices = #map}]} {
    %mul3A = arith.constant 2 : i32
    %mul3A_0 = arith.muli %arg1, %mul3A : i32
    %add3A = arith.addi %mul3A_0, %arg0 : i32
    %mul3A_1 = arith.constant 768 : i32
    %mul3A_2 = arith.muli %add3A, %mul3A_1 : i32
    "tpu.region"() ({
      %run_scoped3A = tpu.sem_alloc : memref<!tpu.dma_semaphore, #tpu.memory_space<semaphore_mem>>
      %dma_start3A = tpu.memref_slice %arg2[%mul3A_2] : memref<24576xf32, #tpu.memory_space<hbm>> -> memref<768xf32, #tpu.memory_space<hbm>>
      %dma_start3A_237 = tpu.memref_slice %arg2[%mul3A_2] : memref<24576xf32, #tpu.memory_space<hbm>> -> memref<768xf32, #tpu.memory_space<hbm>>
      tpu.enqueue_dma source(%dma_start3A_237 : memref<768xf32, #tpu.memory_space<hbm>>) target(%arg4 : memref<768xf32, #tpu.memory_space<vmem>>) target_semaphore(%run_scoped3A : memref<!tpu.dma_semaphore, #tpu.memory_space<semaphore_mem>>)
      %dma_wait3A = tpu.memref_slice %arg2[%mul3A_2] : memref<24576xf32, #tpu.memory_space<hbm>> -> memref<768xf32, #tpu.memory_space<hbm>>
      %dma_wait3A_238 = tpu.memref_slice %arg2[%mul3A_2] : memref<24576xf32, #tpu.memory_space<hbm>> -> memref<768xf32, #tpu.memory_space<hbm>>
      tpu.wait_dma2 semaphore(%run_scoped3A : memref<!tpu.dma_semaphore, #tpu.memory_space<semaphore_mem>>) src(%dma_wait3A_238 : memref<768xf32, #tpu.memory_space<hbm>>) dst(%arg4 : memref<768xf32, #tpu.memory_space<vmem>>)
      tpu.yield
    }) : () -> ()
    %iota3A = tpu.iota {dimensions = array<i32: 0>} : vector<16xi32>
    %get3A = arith.constant 0 : index
    %get3A_3 = tpu.vector_load %arg4[%get3A] {strides = array<i32>} : memref<768xf32, #tpu.memory_space<vmem>>, vector<16xf32>,
    %get3A_4 = vector.shape_cast %get3A_3 : vector<16xf32> to vector<16xf32>
    %get3A_5 = arith.constant 16 : index
    %get3A_6 = tpu.vector_load %arg4[%get3A_5] {strides = array<i32>} : memref<768xf32, #tpu.memory_space<vmem>>, vector<16xf32>,
    %get3A_7 = vector.shape_cast %get3A_6 : vector<16xf32> to vector<16xf32>
    %get3A_8 = arith.constant 32 : index
    %get3A_9 = tpu.vector_load %arg4[%get3A_8] {strides = array<i32>} : memref<768xf32, #tpu.memory_space<vmem>>, vector<16xf32>,
    %get3A_10 = vector.shape_cast %get3A_9 : vector<16xf32> to vector<16xf32>
    %get3A_11 = arith.constant 48 : index
    %get3A_12 = tpu.vector_load %arg4[%get3A_11] {strides = array<i32>} : memref<768xf32, #tpu.memory_space<vmem>>, vector<16xf32>,
    %get3A_13 = vector.shape_cast %get3A_12 : vector<16xf32> to vector<16xf32>
    %get3A_14 = arith.constant 64 : index
    %get3A_15 = tpu.vector_load %arg4[%get3A_14] {strides = array<i32>} : memref<768xf32, #tpu.memory_space<vmem>>, vector<16xf32>,
    %get3A_16 = vector.shape_cast %get3A_15 : vector<16xf32> to vector<16xf32>
    %get3A_17 = arith.constant 80 : index
    %get3A_18 = tpu.vector_load %arg4[%get3A_17] {strides = array<i32>} : memref<768xf32, #tpu.memory_space<vmem>>, vector<16xf32>,
    %get3A_19 = vector.shape_cast %get3A_18 : vector<16xf32> to vector<16xf32>
    %get3A_20 = arith.constant 96 : index
    %get3A_21 = tpu.vector_load %arg4[%get3A_20] {strides = array<i32>} : memref<768xf32, #tpu.memory_space<vmem>>, vector<16xf32>,
    %get3A_22 = vector.shape_cast %get3A_21 : vector<16xf32> to vector<16xf32>
    %get3A_23 = arith.constant 112 : index
    %get3A_24 = tpu.vector_load %arg4[%get3A_23] {strides = array<i32>} : memref<768xf32, #tpu.memory_space<vmem>>, vector<16xf32>,
    %get3A_25 = vector.shape_cast %get3A_24 : vector<16xf32> to vector<16xf32>
    %get3A_26 = arith.constant 128 : index
    %get3A_27 = tpu.vector_load %arg4[%get3A_26] {strides = array<i32>} : memref<768xf32, #tpu.memory_space<vmem>>, vector<16xf32>,
    %get3A_28 = vector.shape_cast %get3A_27 : vector<16xf32> to vector<16xf32>
    %get3A_29 = arith.constant 144 : index
    %get3A_30 = tpu.vector_load %arg4[%get3A_29] {strides = array<i32>} : memref<768xf32, #tpu.memory_space<vmem>>, vector<16xf32>,
    %get3A_31 = vector.shape_cast %get3A_30 : vector<16xf32> to vector<16xf32>
    %get3A_32 = arith.constant 160 : index
    %get3A_33 = tpu.vector_load %arg4[%get3A_32] {strides = array<i32>} : memref<768xf32, #tpu.memory_space<vmem>>, vector<16xf32>,
    %get3A_34 = vector.shape_cast %get3A_33 : vector<16xf32> to vector<16xf32>
    %get3A_35 = arith.constant 176 : index
    %get3A_36 = tpu.vector_load %arg4[%get3A_35] {strides = array<i32>} : memref<768xf32, #tpu.memory_space<vmem>>, vector<16xf32>,
    %get3A_37 = vector.shape_cast %get3A_36 : vector<16xf32> to vector<16xf32>
    %get3A_38 = arith.constant 192 : index
    %get3A_39 = tpu.vector_load %arg4[%get3A_38] {strides = array<i32>} : memref<768xf32, #tpu.memory_space<vmem>>, vector<16xf32>,
    %get3A_40 = vector.shape_cast %get3A_39 : vector<16xf32> to vector<16xf32>
    %get3A_41 = arith.constant 208 : index
    %get3A_42 = tpu.vector_load %arg4[%get3A_41] {strides = array<i32>} : memref<768xf32, #tpu.memory_space<vmem>>, vector<16xf32>,
    %get3A_43 = vector.shape_cast %get3A_42 : vector<16xf32> to vector<16xf32>
    %get3A_44 = arith.constant 224 : index
    %get3A_45 = tpu.vector_load %arg4[%get3A_44] {strides = array<i32>} : memref<768xf32, #tpu.memory_space<vmem>>, vector<16xf32>,
    %get3A_46 = vector.shape_cast %get3A_45 : vector<16xf32> to vector<16xf32>
    %get3A_47 = arith.constant 240 : index
    %get3A_48 = tpu.vector_load %arg4[%get3A_47] {strides = array<i32>} : memref<768xf32, #tpu.memory_space<vmem>>, vector<16xf32>,
    %get3A_49 = vector.shape_cast %get3A_48 : vector<16xf32> to vector<16xf32>
    %get3A_50 = arith.constant 256 : index
    %get3A_51 = tpu.vector_load %arg4[%get3A_50] {strides = array<i32>} : memref<768xf32, #tpu.memory_space<vmem>>, vector<16xf32>,
    %get3A_52 = vector.shape_cast %get3A_51 : vector<16xf32> to vector<16xf32>
    %get3A_53 = arith.constant 272 : index
    %get3A_54 = tpu.vector_load %arg4[%get3A_53] {strides = array<i32>} : memref<768xf32, #tpu.memory_space<vmem>>, vector<16xf32>,
    %get3A_55 = vector.shape_cast %get3A_54 : vector<16xf32> to vector<16xf32>
    %get3A_56 = arith.constant 288 : index
    %get3A_57 = tpu.vector_load %arg4[%get3A_56] {strides = array<i32>} : memref<768xf32, #tpu.memory_space<vmem>>, vector<16xf32>,
    %get3A_58 = vector.shape_cast %get3A_57 : vector<16xf32> to vector<16xf32>
    %get3A_59 = arith.constant 304 : index
    %get3A_60 = tpu.vector_load %arg4[%get3A_59] {strides = array<i32>} : memref<768xf32, #tpu.memory_space<vmem>>, vector<16xf32>,
    %get3A_61 = vector.shape_cast %get3A_60 : vector<16xf32> to vector<16xf32>
    %get3A_62 = arith.constant 320 : index
    %get3A_63 = tpu.vector_load %arg4[%get3A_62] {strides = array<i32>} : memref<768xf32, #tpu.memory_space<vmem>>, vector<16xf32>,
    %get3A_64 = vector.shape_cast %get3A_63 : vector<16xf32> to vector<16xf32>
    %get3A_65 = arith.constant 336 : index
    %get3A_66 = tpu.vector_load %arg4[%get3A_65] {strides = array<i32>} : memref<768xf32, #tpu.memory_space<vmem>>, vector<16xf32>,
    %get3A_67 = vector.shape_cast %get3A_66 : vector<16xf32> to vector<16xf32>
    %get3A_68 = arith.constant 352 : index
    %get3A_69 = tpu.vector_load %arg4[%get3A_68] {strides = array<i32>} : memref<768xf32, #tpu.memory_space<vmem>>, vector<16xf32>,
    %get3A_70 = vector.shape_cast %get3A_69 : vector<16xf32> to vector<16xf32>
    %get3A_71 = arith.constant 368 : index
    %get3A_72 = tpu.vector_load %arg4[%get3A_71] {strides = array<i32>} : memref<768xf32, #tpu.memory_space<vmem>>, vector<16xf32>,
    %get3A_73 = vector.shape_cast %get3A_72 : vector<16xf32> to vector<16xf32>
    %broadcast_in_dim3A = arith.constant 0.000000e+00 : f32
    %broadcast_in_dim3A_74 = vector.broadcast %broadcast_in_dim3A : f32 to vector<16xf32>
    %broadcast_in_dim3A_75 = arith.constant 0.000000e+00 : f32
    %broadcast_in_dim3A_76 = vector.broadcast %broadcast_in_dim3A_75 : f32 to vector<16xf32>
    %broadcast_in_dim3A_77 = arith.constant 0.000000e+00 : f32
    %broadcast_in_dim3A_78 = vector.broadcast %broadcast_in_dim3A_77 : f32 to vector<16xf32>
    %broadcast_in_dim3A_79 = arith.constant 0.000000e+00 : f32
    %broadcast_in_dim3A_80 = vector.broadcast %broadcast_in_dim3A_79 : f32 to vector<16xf32>
    %scan3A = arith.constant 0 : i32
    %scan3A_81 = arith.constant 50 : i32
    %scan3A_82 = arith.addi %scan3A, %scan3A_81 : i32
    %scan3A_83 = arith.constant 1 : i32
    %scan3A_84:32 = scf.for %scan3A_237 = %scan3A to %scan3A_82 step %scan3A_83 iter_args(%scan3A_238 = %get3A_4, %scan3A_239 = %get3A_7, %scan3A_240 = %get3A_10, %scan3A_241 = %get3A_13, %scan3A_242 = %get3A_16, %scan3A_243 = %get3A_19, %scan3A_244 = %get3A_22, %scan3A_245 = %get3A_25, %scan3A_246 = %get3A_28, %scan3A_247 = %get3A_31, %scan3A_248 = %get3A_34, %scan3A_249 = %get3A_37, %scan3A_250 = %get3A_40, %scan3A_251 = %get3A_43, %scan3A_252 = %get3A_46, %scan3A_253 = %get3A_49, %scan3A_254 = %get3A_52, %scan3A_255 = %get3A_55, %scan3A_256 = %get3A_58, %scan3A_257 = %get3A_61, %scan3A_258 = %get3A_64, %scan3A_259 = %get3A_67, %scan3A_260 = %get3A_70, %scan3A_261 = %get3A_73, %scan3A_262 = %broadcast_in_dim3A_74, %scan3A_263 = %broadcast_in_dim3A_76, %scan3A_264 = %broadcast_in_dim3A_78, %scan3A_265 = %broadcast_in_dim3A_80, %scan3A_266 = %broadcast_in_dim3A_74, %scan3A_267 = %broadcast_in_dim3A_76, %scan3A_268 = %broadcast_in_dim3A_78, %scan3A_269 = %broadcast_in_dim3A_80) -> (vector<16xf32>, vector<16xf32>, vector<16xf32>, vector<16xf32>, vector<16xf32>, vector<16xf32>, vector<16xf32>, vector<16xf32>, vector<16xf32>, vector<16xf32>, vector<16xf32>, vector<16xf32>, vector<16xf32>, vector<16xf32>, vector<16xf32>, vector<16xf32>, vector<16xf32>, vector<16xf32>, vector<16xf32>, vector<16xf32>, vector<16xf32>, vector<16xf32>, vector<16xf32>, vector<16xf32>, vector<16xf32>, vector<16xf32>, vector<16xf32>, vector<16xf32>, vector<16xf32>, vector<16xf32>, vector<16xf32>, vector<16xf32>)  : i32 {
      %add3A_270 = arith.constant 16 : i32
      %add3A_271 = vector.broadcast %add3A_270 : i32 to vector<16xi32>
      %add3A_272 = arith.addi %iota3A, %add3A_271 : vector<16xi32>
      %ge3A = arith.cmpf oge, %scan3A_239, %scan3A_238 : vector<16xf32>
      %select_n3A = arith.select %ge3A, %scan3A_239, %scan3A_238 : vector<16xi1>, vector<16xf32>
      %select_n3A_273 = arith.select %ge3A, %add3A_272, %iota3A : vector<16xi1>, vector<16xi32>
      %add3A_274 = arith.constant 32 : i32
      %add3A_275 = vector.broadcast %add3A_274 : i32 to vector<16xi32>
      %add3A_276 = arith.addi %iota3A, %add3A_275 : vector<16xi32>
      %ge3A_277 = arith.cmpf oge, %scan3A_240, %select_n3A : vector<16xf32>
      %select_n3A_278 = arith.select %ge3A_277, %scan3A_240, %select_n3A : vector<16xi1>, vector<16xf32>
      %select_n3A_279 = arith.select %ge3A_277, %add3A_276, %select_n3A_273 : vector<16xi1>, vector<16xi32>
      %add3A_280 = arith.constant 48 : i32
      %add3A_281 = vector.broadcast %add3A_280 : i32 to vector<16xi32>
      %add3A_282 = arith.addi %iota3A, %add3A_281 : vector<16xi32>
      %ge3A_283 = arith.cmpf oge, %scan3A_241, %select_n3A_278 : vector<16xf32>
      %select_n3A_284 = arith.select %ge3A_283, %scan3A_241, %select_n3A_278 : vector<16xi1>, vector<16xf32>
      %select_n3A_285 = arith.select %ge3A_283, %add3A_282, %select_n3A_279 : vector<16xi1>, vector<16xi32>
      %add3A_286 = arith.constant 64 : i32
      %add3A_287 = vector.broadcast %add3A_286 : i32 to vector<16xi32>
      %add3A_288 = arith.addi %iota3A, %add3A_287 : vector<16xi32>
      %ge3A_289 = arith.cmpf oge, %scan3A_242, %select_n3A_284 : vector<16xf32>
      %select_n3A_290 = arith.select %ge3A_289, %scan3A_242, %select_n3A_284 : vector<16xi1>, vector<16xf32>
      %select_n3A_291 = arith.select %ge3A_289, %add3A_288, %select_n3A_285 : vector<16xi1>, vector<16xi32>
      %add3A_292 = arith.constant 80 : i32
      %add3A_293 = vector.broadcast %add3A_292 : i32 to vector<16xi32>
      %add3A_294 = arith.addi %iota3A, %add3A_293 : vector<16xi32>
      %ge3A_295 = arith.cmpf oge, %scan3A_243, %select_n3A_290 : vector<16xf32>
      %select_n3A_296 = arith.select %ge3A_295, %scan3A_243, %select_n3A_290 : vector<16xi1>, vector<16xf32>
      %select_n3A_297 = arith.select %ge3A_295, %add3A_294, %select_n3A_291 : vector<16xi1>, vector<16xi32>
      %add3A_298 = arith.constant 96 : i32
      %add3A_299 = vector.broadcast %add3A_298 : i32 to vector<16xi32>
      %add3A_300 = arith.addi %iota3A, %add3A_299 : vector<16xi32>
      %ge3A_301 = arith.cmpf oge, %scan3A_244, %select_n3A_296 : vector<16xf32>
      %select_n3A_302 = arith.select %ge3A_301, %scan3A_244, %select_n3A_296 : vector<16xi1>, vector<16xf32>
      %select_n3A_303 = arith.select %ge3A_301, %add3A_300, %select_n3A_297 : vector<16xi1>, vector<16xi32>
      %add3A_304 = arith.constant 112 : i32
      %add3A_305 = vector.broadcast %add3A_304 : i32 to vector<16xi32>
      %add3A_306 = arith.addi %iota3A, %add3A_305 : vector<16xi32>
      %ge3A_307 = arith.cmpf oge, %scan3A_245, %select_n3A_302 : vector<16xf32>
      %select_n3A_308 = arith.select %ge3A_307, %scan3A_245, %select_n3A_302 : vector<16xi1>, vector<16xf32>
      %select_n3A_309 = arith.select %ge3A_307, %add3A_306, %select_n3A_303 : vector<16xi1>, vector<16xi32>
      %add3A_310 = arith.constant 128 : i32
      %add3A_311 = vector.broadcast %add3A_310 : i32 to vector<16xi32>
      %add3A_312 = arith.addi %iota3A, %add3A_311 : vector<16xi32>
      %ge3A_313 = arith.cmpf oge, %scan3A_246, %select_n3A_308 : vector<16xf32>
      %select_n3A_314 = arith.select %ge3A_313, %scan3A_246, %select_n3A_308 : vector<16xi1>, vector<16xf32>
      %select_n3A_315 = arith.select %ge3A_313, %add3A_312, %select_n3A_309 : vector<16xi1>, vector<16xi32>
      %add3A_316 = arith.constant 144 : i32
      %add3A_317 = vector.broadcast %add3A_316 : i32 to vector<16xi32>
      %add3A_318 = arith.addi %iota3A, %add3A_317 : vector<16xi32>
      %ge3A_319 = arith.cmpf oge, %scan3A_247, %select_n3A_314 : vector<16xf32>
      %select_n3A_320 = arith.select %ge3A_319, %scan3A_247, %select_n3A_314 : vector<16xi1>, vector<16xf32>
      %select_n3A_321 = arith.select %ge3A_319, %add3A_318, %select_n3A_315 : vector<16xi1>, vector<16xi32>
      %add3A_322 = arith.constant 160 : i32
      %add3A_323 = vector.broadcast %add3A_322 : i32 to vector<16xi32>
      %add3A_324 = arith.addi %iota3A, %add3A_323 : vector<16xi32>
      %ge3A_325 = arith.cmpf oge, %scan3A_248, %select_n3A_320 : vector<16xf32>
      %select_n3A_326 = arith.select %ge3A_325, %scan3A_248, %select_n3A_320 : vector<16xi1>, vector<16xf32>
      %select_n3A_327 = arith.select %ge3A_325, %add3A_324, %select_n3A_321 : vector<16xi1>, vector<16xi32>
      %add3A_328 = arith.constant 176 : i32
      %add3A_329 = vector.broadcast %add3A_328 : i32 to vector<16xi32>
      %add3A_330 = arith.addi %iota3A, %add3A_329 : vector<16xi32>
      %ge3A_331 = arith.cmpf oge, %scan3A_249, %select_n3A_326 : vector<16xf32>
      %select_n3A_332 = arith.select %ge3A_331, %scan3A_249, %select_n3A_326 : vector<16xi1>, vector<16xf32>
      %select_n3A_333 = arith.select %ge3A_331, %add3A_330, %select_n3A_327 : vector<16xi1>, vector<16xi32>
      %swap3A_334 = arith.constant 0 : index
      %swap3A_335 = tpu.vector_load %arg6[%swap3A_334] {strides = array<i32>} : memref<64xf32, #tpu.memory_space<vmem>>, vector<16xf32>,
      %swap3A_336 = vector.shape_cast %swap3A_335 : vector<16xf32> to vector<16xf32>
      %swap3A_337 = vector.shape_cast %select_n3A_332 : vector<16xf32> to vector<16xf32>
      tpu.vector_store %arg6[%swap3A_334], %swap3A_337 {strides = array<i32>} : memref<64xf32, #tpu.memory_space<vmem>>, vector<16xf32>,
      %swap3A_338 = arith.constant 16 : index
      %swap3A_339 = tpu.vector_load %arg6[%swap3A_338] {strides = array<i32>} : memref<64xf32, #tpu.memory_space<vmem>>, vector<16xf32>,
      %swap3A_340 = vector.shape_cast %swap3A_339 : vector<16xf32> to vector<16xf32>
      %swap3A_341 = vector.shape_cast %select_n3A_332 : vector<16xf32> to vector<16xf32>
      tpu.vector_store %arg6[%swap3A_338], %swap3A_341 {strides = array<i32>} : memref<64xf32, #tpu.memory_space<vmem>>, vector<16xf32>,
      %swap3A_342 = arith.constant 0 : index
      %swap3A_343 = tpu.vector_load %arg7[%swap3A_342] {strides = array<i32>} : memref<64xi32, #tpu.memory_space<vmem>>, vector<16xi32>,
      %swap3A_344 = vector.shape_cast %swap3A_343 : vector<16xi32> to vector<16xi32>
      %swap3A_345 = vector.shape_cast %select_n3A_333 : vector<16xi32> to vector<16xi32>
      tpu.vector_store %arg7[%swap3A_342], %swap3A_345 {strides = array<i32>} : memref<64xi32, #tpu.memory_space<vmem>>, vector<16xi32>,
      %swap3A_346 = arith.constant 16 : index
      %swap3A_347 = tpu.vector_load %arg7[%swap3A_346] {strides = array<i32>} : memref<64xi32, #tpu.memory_space<vmem>>, vector<16xi32>,
      %swap3A_348 = vector.shape_cast %swap3A_347 : vector<16xi32> to vector<16xi32>
      %swap3A_349 = vector.shape_cast %select_n3A_333 : vector<16xi32> to vector<16xi32>
      tpu.vector_store %arg7[%swap3A_346], %swap3A_349 {strides = array<i32>} : memref<64xi32, #tpu.memory_space<vmem>>, vector<16xi32>,
      %get3A_350 = arith.constant 8 : index
      %get3A_351 = tpu.vector_load %arg6[%get3A_350] {strides = array<i32>} : memref<64xf32, #tpu.memory_space<vmem>>, vector<16xf32>,
      %get3A_352 = vector.shape_cast %get3A_351 : vector<16xf32> to vector<16xf32>
      %get3A_353 = arith.constant 8 : index
      %get3A_354 = tpu.vector_load %arg7[%get3A_353] {strides = array<i32>} : memref<64xi32, #tpu.memory_space<vmem>>, vector<16xi32>,
      %get3A_355 = vector.shape_cast %get3A_354 : vector<16xi32> to vector<16xi32>
      %gt3A = arith.cmpf ogt, %get3A_352, %select_n3A_332 : vector<16xf32>
      %eq3A = arith.cmpf oeq, %get3A_352, %select_n3A_332 : vector<16xf32>
      %gt3A_356 = arith.cmpi sgt, %get3A_355, %select_n3A_333 : vector<16xi32>
      %and3A = arith.andi %eq3A, %gt3A_356 : vector<16xi1>
      %or3A = arith.ori %gt3A, %and3A : vector<16xi1>
      %select_n3A_357 = arith.select %or3A, %get3A_352, %select_n3A_332 : vector<16xi1>, vector<16xf32>
      %select_n3A_358 = arith.select %or3A, %get3A_355, %select_n3A_333 : vector<16xi1>, vector<16xi32>
      %swap3A_359 = arith.constant 0 : index
      %swap3A_360 = tpu.vector_load %arg6[%swap3A_359] {strides = array<i32>} : memref<64xf32, #tpu.memory_space<vmem>>, vector<16xf32>,
      %swap3A_361 = vector.shape_cast %swap3A_360 : vector<16xf32> to vector<16xf32>
      %swap3A_362 = vector.shape_cast %select_n3A_357 : vector<16xf32> to vector<16xf32>
      tpu.vector_store %arg6[%swap3A_359], %swap3A_362 {strides = array<i32>} : memref<64xf32, #tpu.memory_space<vmem>>, vector<16xf32>,
      %swap3A_363 = arith.constant 16 : index
      %swap3A_364 = tpu.vector_load %arg6[%swap3A_363] {strides = array<i32>} : memref<64xf32, #tpu.memory_space<vmem>>, vector<16xf32>,
      %swap3A_365 = vector.shape_cast %swap3A_364 : vector<16xf32> to vector<16xf32>
      %swap3A_366 = vector.shape_cast %select_n3A_357 : vector<16xf32> to vector<16xf32>
      tpu.vector_store %arg6[%swap3A_363], %swap3A_366 {strides = array<i32>} : memref<64xf32, #tpu.memory_space<vmem>>, vector<16xf32>,
      %swap3A_367 = arith.constant 0 : index
      %swap3A_368 = tpu.vector_load %arg7[%swap3A_367] {strides = array<i32>} : memref<64xi32, #tpu.memory_space<vmem>>, vector<16xi32>,
      %swap3A_369 = vector.shape_cast %swap3A_368 : vector<16xi32> to vector<16xi32>
      %swap3A_370 = vector.shape_cast %select_n3A_358 : vector<16xi32> to vector<16xi32>
      tpu.vector_store %arg7[%swap3A_367], %swap3A_370 {strides = array<i32>} : memref<64xi32, #tpu.memory_space<vmem>>, vector<16xi32>,
      %swap3A_371 = arith.constant 16 : index
      %swap3A_372 = tpu.vector_load %arg7[%swap3A_371] {strides = array<i32>} : memref<64xi32, #tpu.memory_space<vmem>>, vector<16xi32>,
      %swap3A_373 = vector.shape_cast %swap3A_372 : vector<16xi32> to vector<16xi32>
      %swap3A_374 = vector.shape_cast %select_n3A_358 : vector<16xi32> to vector<16xi32>
      tpu.vector_store %arg7[%swap3A_371], %swap3A_374 {strides = array<i32>} : memref<64xi32, #tpu.memory_space<vmem>>, vector<16xi32>,
      %get3A_375 = arith.constant 4 : index
      %get3A_376 = tpu.vector_load %arg6[%get3A_375] {strides = array<i32>} : memref<64xf32, #tpu.memory_space<vmem>>, vector<16xf32>,
      %get3A_377 = vector.shape_cast %get3A_376 : vector<16xf32> to vector<16xf32>
      %get3A_378 = arith.constant 4 : index
      %get3A_379 = tpu.vector_load %arg7[%get3A_378] {strides = array<i32>} : memref<64xi32, #tpu.memory_space<vmem>>, vector<16xi32>,
      %get3A_380 = vector.shape_cast %get3A_379 : vector<16xi32> to vector<16xi32>
      %gt3A_381 = arith.cmpf ogt, %get3A_377, %select_n3A_357 : vector<16xf32>
      %eq3A_382 = arith.cmpf oeq, %get3A_377, %select_n3A_357 : vector<16xf32>
      %gt3A_383 = arith.cmpi sgt, %get3A_380, %select_n3A_358 : vector<16xi32>
      %and3A_384 = arith.andi %eq3A_382, %gt3A_383 : vector<16xi1>
      %or3A_385 = arith.ori %gt3A_381, %and3A_384 : vector<16xi1>
      %select_n3A_386 = arith.select %or3A_385, %get3A_377, %select_n3A_357 : vector<16xi1>, vector<16xf32>
      %select_n3A_387 = arith.select %or3A_385, %get3A_380, %select_n3A_358 : vector<16xi1>, vector<16xi32>
      %swap3A_388 = arith.constant 0 : index
      %swap3A_389 = tpu.vector_load %arg6[%swap3A_388] {strides = array<i32>} : memref<64xf32, #tpu.memory_space<vmem>>, vector<16xf32>,
      %swap3A_390 = vector.shape_cast %swap3A_389 : vector<16xf32> to vector<16xf32>
      %swap3A_391 = vector.shape_cast %select_n3A_386 : vector<16xf32> to vector<16xf32>
      tpu.vector_store %arg6[%swap3A_388], %swap3A_391 {strides = array<i32>} : memref<64xf32, #tpu.memory_space<vmem>>, vector<16xf32>,
      %swap3A_392 = arith.constant 16 : index
      %swap3A_393 = tpu.vector_load %arg6[%swap3A_392] {strides = array<i32>} : memref<64xf32, #tpu.memory_space<vmem>>, vector<16xf32>,
      %swap3A_394 = vector.shape_cast %swap3A_393 : vector<16xf32> to vector<16xf32>
      %swap3A_395 = vector.shape_cast %select_n3A_386 : vector<16xf32> to vector<16xf32>
      tpu.vector_store %arg6[%swap3A_392], %swap3A_395 {strides = array<i32>} : memref<64xf32, #tpu.memory_space<vmem>>, vector<16xf32>,
      %swap3A_396 = arith.constant 0 : index
      %swap3A_397 = tpu.vector_load %arg7[%swap3A_396] {strides = array<i32>} : memref<64xi32, #tpu.memory_space<vmem>>, vector<16xi32>,
      %swap3A_398 = vector.shape_cast %swap3A_397 : vector<16xi32> to vector<16xi32>
      %swap3A_399 = vector.shape_cast %select_n3A_387 : vector<16xi32> to vector<16xi32>
      tpu.vector_store %arg7[%swap3A_396], %swap3A_399 {strides = array<i32>} : memref<64xi32, #tpu.memory_space<vmem>>, vector<16xi32>,
      %swap3A_400 = arith.constant 16 : index
      %swap3A_401 = tpu.vector_load %arg7[%swap3A_400] {strides = array<i32>} : memref<64xi32, #tpu.memory_space<vmem>>, vector<16xi32>,
      %swap3A_402 = vector.shape_cast %swap3A_401 : vector<16xi32> to vector<16xi32>
      %swap3A_403 = vector.shape_cast %select_n3A_387 : vector<16xi32> to vector<16xi32>
      tpu.vector_store %arg7[%swap3A_400], %swap3A_403 {strides = array<i32>} : memref<64xi32, #tpu.memory_space<vmem>>, vector<16xi32>,
      %get3A_404 = arith.constant 2 : index
      %get3A_405 = tpu.vector_load %arg6[%get3A_404] {strides = array<i32>} : memref<64xf32, #tpu.memory_space<vmem>>, vector<16xf32>,
      %get3A_406 = vector.shape_cast %get3A_405 : vector<16xf32> to vector<16xf32>
      %get3A_407 = arith.constant 2 : index
      %get3A_408 = tpu.vector_load %arg7[%get3A_407] {strides = array<i32>} : memref<64xi32, #tpu.memory_space<vmem>>, vector<16xi32>,
      %get3A_409 = vector.shape_cast %get3A_408 : vector<16xi32> to vector<16xi32>
      %gt3A_410 = arith.cmpf ogt, %get3A_406, %select_n3A_386 : vector<16xf32>
      %eq3A_411 = arith.cmpf oeq, %get3A_406, %select_n3A_386 : vector<16xf32>
      %gt3A_412 = arith.cmpi sgt, %get3A_409, %select_n3A_387 : vector<16xi32>
      %and3A_413 = arith.andi %eq3A_411, %gt3A_412 : vector<16xi1>
      %or3A_414 = arith.ori %gt3A_410, %and3A_413 : vector<16xi1>
      %select_n3A_415 = arith.select %or3A_414, %get3A_406, %select_n3A_386 : vector<16xi1>, vector<16xf32>
      %select_n3A_416 = arith.select %or3A_414, %get3A_409, %select_n3A_387 : vector<16xi1>, vector<16xi32>
      %swap3A_417 = arith.constant 0 : index
      %swap3A_418 = tpu.vector_load %arg6[%swap3A_417] {strides = array<i32>} : memref<64xf32, #tpu.memory_space<vmem>>, vector<16xf32>,
      %swap3A_419 = vector.shape_cast %swap3A_418 : vector<16xf32> to vector<16xf32>
      %swap3A_420 = vector.shape_cast %select_n3A_415 : vector<16xf32> to vector<16xf32>
      tpu.vector_store %arg6[%swap3A_417], %swap3A_420 {strides = array<i32>} : memref<64xf32, #tpu.memory_space<vmem>>, vector<16xf32>,
      %swap3A_421 = arith.constant 16 : index
      %swap3A_422 = tpu.vector_load %arg6[%swap3A_421] {strides = array<i32>} : memref<64xf32, #tpu.memory_space<vmem>>, vector<16xf32>,
      %swap3A_423 = vector.shape_cast %swap3A_422 : vector<16xf32> to vector<16xf32>
      %swap3A_424 = vector.shape_cast %select_n3A_415 : vector<16xf32> to vector<16xf32>
      tpu.vector_store %arg6[%swap3A_421], %swap3A_424 {strides = array<i32>} : memref<64xf32, #tpu.memory_space<vmem>>, vector<16xf32>,
      %swap3A_425 = arith.constant 0 : index
      %swap3A_426 = tpu.vector_load %arg7[%swap3A_425] {strides = array<i32>} : memref<64xi32, #tpu.memory_space<vmem>>, vector<16xi32>,
      %swap3A_427 = vector.shape_cast %swap3A_426 : vector<16xi32> to vector<16xi32>
      %swap3A_428 = vector.shape_cast %select_n3A_416 : vector<16xi32> to vector<16xi32>
      tpu.vector_store %arg7[%swap3A_425], %swap3A_428 {strides = array<i32>} : memref<64xi32, #tpu.memory_space<vmem>>, vector<16xi32>,
      %swap3A_429 = arith.constant 16 : index
      %swap3A_430 = tpu.vector_load %arg7[%swap3A_429] {strides = array<i32>} : memref<64xi32, #tpu.memory_space<vmem>>, vector<16xi32>,
      %swap3A_431 = vector.shape_cast %swap3A_430 : vector<16xi32> to vector<16xi32>
      %swap3A_432 = vector.shape_cast %select_n3A_416 : vector<16xi32> to vector<16xi32>
      tpu.vector_store %arg7[%swap3A_429], %swap3A_432 {strides = array<i32>} : memref<64xi32, #tpu.memory_space<vmem>>, vector<16xi32>,
      %get3A_433 = arith.constant 1 : index
      %get3A_434 = tpu.vector_load %arg6[%get3A_433] {strides = array<i32>} : memref<64xf32, #tpu.memory_space<vmem>>, vector<16xf32>,
      %get3A_435 = vector.shape_cast %get3A_434 : vector<16xf32> to vector<16xf32>
      %get3A_436 = arith.constant 1 : index
      %get3A_437 = tpu.vector_load %arg7[%get3A_436] {strides = array<i32>} : memref<64xi32, #tpu.memory_space<vmem>>, vector<16xi32>,
      %get3A_438 = vector.shape_cast %get3A_437 : vector<16xi32> to vector<16xi32>
      %gt3A_439 = arith.cmpf ogt, %get3A_435, %select_n3A_415 : vector<16xf32>
      %eq3A_440 = arith.cmpf oeq, %get3A_435, %select_n3A_415 : vector<16xf32>
      %gt3A_441 = arith.cmpi sgt, %get3A_438, %select_n3A_416 : vector<16xi32>
      %and3A_442 = arith.andi %eq3A_440, %gt3A_441 : vector<16xi1>
      %or3A_443 = arith.ori %gt3A_439, %and3A_442 : vector<16xi1>
      %select_n3A_444 = arith.select %or3A_443, %get3A_435, %select_n3A_415 : vector<16xi1>, vector<16xf32>
      %select_n3A_445 = arith.select %or3A_443, %get3A_438, %select_n3A_416 : vector<16xi1>, vector<16xi32>
      %add3A_446 = arith.constant 16 : i32
      %add3A_447 = vector.broadcast %add3A_446 : i32 to vector<16xi32>
      %add3A_448 = arith.addi %iota3A, %add3A_447 : vector<16xi32>
      %ge3A_449 = arith.cmpf oge, %scan3A_251, %scan3A_250 : vector<16xf32>
      %select_n3A_450 = arith.select %ge3A_449, %scan3A_251, %scan3A_250 : vector<16xi1>, vector<16xf32>
      %select_n3A_451 = arith.select %ge3A_449, %add3A_448, %iota3A : vector<16xi1>, vector<16xi32>
      %add3A_452 = arith.constant 32 : i32
      %add3A_453 = vector.broadcast %add3A_452 : i32 to vector<16xi32>
      %add3A_454 = arith.addi %iota3A, %add3A_453 : vector<16xi32>
      %ge3A_455 = arith.cmpf oge, %scan3A_252, %select_n3A_450 : vector<16xf32>
      %select_n3A_456 = arith.select %ge3A_455, %scan3A_252, %select_n3A_450 : vector<16xi1>, vector<16xf32>
      %select_n3A_457 = arith.select %ge3A_455, %add3A_454, %select_n3A_451 : vector<16xi1>, vector<16xi32>
      %add3A_458 = arith.constant 48 : i32
      %add3A_459 = vector.broadcast %add3A_458 : i32 to vector<16xi32>
      %add3A_460 = arith.addi %iota3A, %add3A_459 : vector<16xi32>
      %ge3A_461 = arith.cmpf oge, %scan3A_253, %select_n3A_456 : vector<16xf32>
      %select_n3A_462 = arith.select %ge3A_461, %scan3A_253, %select_n3A_456 : vector<16xi1>, vector<16xf32>
      %select_n3A_463 = arith.select %ge3A_461, %add3A_460, %select_n3A_457 : vector<16xi1>, vector<16xi32>
      %add3A_464 = arith.constant 64 : i32
      %add3A_465 = vector.broadcast %add3A_464 : i32 to vector<16xi32>
      %add3A_466 = arith.addi %iota3A, %add3A_465 : vector<16xi32>
      %ge3A_467 = arith.cmpf oge, %scan3A_254, %select_n3A_462 : vector<16xf32>
      %select_n3A_468 = arith.select %ge3A_467, %scan3A_254, %select_n3A_462 : vector<16xi1>, vector<16xf32>
      %select_n3A_469 = arith.select %ge3A_467, %add3A_466, %select_n3A_463 : vector<16xi1>, vector<16xi32>
      %add3A_470 = arith.constant 80 : i32
      %add3A_471 = vector.broadcast %add3A_470 : i32 to vector<16xi32>
      %add3A_472 = arith.addi %iota3A, %add3A_471 : vector<16xi32>
      %ge3A_473 = arith.cmpf oge, %scan3A_255, %select_n3A_468 : vector<16xf32>
      %select_n3A_474 = arith.select %ge3A_473, %scan3A_255, %select_n3A_468 : vector<16xi1>, vector<16xf32>
      %select_n3A_475 = arith.select %ge3A_473, %add3A_472, %select_n3A_469 : vector<16xi1>, vector<16xi32>
      %add3A_476 = arith.constant 96 : i32
      %add3A_477 = vector.broadcast %add3A_476 : i32 to vector<16xi32>
      %add3A_478 = arith.addi %iota3A, %add3A_477 : vector<16xi32>
      %ge3A_479 = arith.cmpf oge, %scan3A_256, %select_n3A_474 : vector<16xf32>
      %select_n3A_480 = arith.select %ge3A_479, %scan3A_256, %select_n3A_474 : vector<16xi1>, vector<16xf32>
      %select_n3A_481 = arith.select %ge3A_479, %add3A_478, %select_n3A_475 : vector<16xi1>, vector<16xi32>
      %add3A_482 = arith.constant 112 : i32
      %add3A_483 = vector.broadcast %add3A_482 : i32 to vector<16xi32>
      %add3A_484 = arith.addi %iota3A, %add3A_483 : vector<16xi32>
      %ge3A_485 = arith.cmpf oge, %scan3A_257, %select_n3A_480 : vector<16xf32>
      %select_n3A_486 = arith.select %ge3A_485, %scan3A_257, %select_n3A_480 : vector<16xi1>, vector<16xf32>
      %select_n3A_487 = arith.select %ge3A_485, %add3A_484, %select_n3A_481 : vector<16xi1>, vector<16xi32>
      %add3A_488 = arith.constant 128 : i32
      %add3A_489 = vector.broadcast %add3A_488 : i32 to vector<16xi32>
      %add3A_490 = arith.addi %iota3A, %add3A_489 : vector<16xi32>
      %ge3A_491 = arith.cmpf oge, %scan3A_258, %select_n3A_486 : vector<16xf32>
      %select_n3A_492 = arith.select %ge3A_491, %scan3A_258, %select_n3A_486 : vector<16xi1>, vector<16xf32>
      %select_n3A_493 = arith.select %ge3A_491, %add3A_490, %select_n3A_487 : vector<16xi1>, vector<16xi32>
      %add3A_494 = arith.constant 144 : i32
      %add3A_495 = vector.broadcast %add3A_494 : i32 to vector<16xi32>
      %add3A_496 = arith.addi %iota3A, %add3A_495 : vector<16xi32>
      %ge3A_497 = arith.cmpf oge, %scan3A_259, %select_n3A_492 : vector<16xf32>
      %select_n3A_498 = arith.select %ge3A_497, %scan3A_259, %select_n3A_492 : vector<16xi1>, vector<16xf32>
      %select_n3A_499 = arith.select %ge3A_497, %add3A_496, %select_n3A_493 : vector<16xi1>, vector<16xi32>
      %add3A_500 = arith.constant 160 : i32
      %add3A_501 = vector.broadcast %add3A_500 : i32 to vector<16xi32>
      %add3A_502 = arith.addi %iota3A, %add3A_501 : vector<16xi32>
      %ge3A_503 = arith.cmpf oge, %scan3A_260, %select_n3A_498 : vector<16xf32>
      %select_n3A_504 = arith.select %ge3A_503, %scan3A_260, %select_n3A_498 : vector<16xi1>, vector<16xf32>
      %select_n3A_505 = arith.select %ge3A_503, %add3A_502, %select_n3A_499 : vector<16xi1>, vector<16xi32>
      %add3A_506 = arith.constant 176 : i32
      %add3A_507 = vector.broadcast %add3A_506 : i32 to vector<16xi32>
      %add3A_508 = arith.addi %iota3A, %add3A_507 : vector<16xi32>
      %ge3A_509 = arith.cmpf oge, %scan3A_261, %select_n3A_504 : vector<16xf32>
      %select_n3A_510 = arith.select %ge3A_509, %scan3A_261, %select_n3A_504 : vector<16xi1>, vector<16xf32>
      %select_n3A_511 = arith.select %ge3A_509, %add3A_508, %select_n3A_505 : vector<16xi1>, vector<16xi32>
      %swap3A_512 = arith.constant 32 : index
      %swap3A_513 = tpu.vector_load %arg6[%swap3A_512] {strides = array<i32>} : memref<64xf32, #tpu.memory_space<vmem>>, vector<16xf32>,
      %swap3A_514 = vector.shape_cast %swap3A_513 : vector<16xf32> to vector<16xf32>
      %swap3A_515 = vector.shape_cast %select_n3A_510 : vector<16xf32> to vector<16xf32>
      tpu.vector_store %arg6[%swap3A_512], %swap3A_515 {strides = array<i32>} : memref<64xf32, #tpu.memory_space<vmem>>, vector<16xf32>,
      %swap3A_516 = arith.constant 48 : index
      %swap3A_517 = tpu.vector_load %arg6[%swap3A_516] {strides = array<i32>} : memref<64xf32, #tpu.memory_space<vmem>>, vector<16xf32>,
      %swap3A_518 = vector.shape_cast %swap3A_517 : vector<16xf32> to vector<16xf32>
      %swap3A_519 = vector.shape_cast %select_n3A_510 : vector<16xf32> to vector<16xf32>
      tpu.vector_store %arg6[%swap3A_516], %swap3A_519 {strides = array<i32>} : memref<64xf32, #tpu.memory_space<vmem>>, vector<16xf32>,
      %swap3A_520 = arith.constant 32 : index
      %swap3A_521 = tpu.vector_load %arg7[%swap3A_520] {strides = array<i32>} : memref<64xi32, #tpu.memory_space<vmem>>, vector<16xi32>,
      %swap3A_522 = vector.shape_cast %swap3A_521 : vector<16xi32> to vector<16xi32>
      %swap3A_523 = vector.shape_cast %select_n3A_511 : vector<16xi32> to vector<16xi32>
      tpu.vector_store %arg7[%swap3A_520], %swap3A_523 {strides = array<i32>} : memref<64xi32, #tpu.memory_space<vmem>>, vector<16xi32>,
      %swap3A_524 = arith.constant 48 : index
      %swap3A_525 = tpu.vector_load %arg7[%swap3A_524] {strides = array<i32>} : memref<64xi32, #tpu.memory_space<vmem>>, vector<16xi32>,
      %swap3A_526 = vector.shape_cast %swap3A_525 : vector<16xi32> to vector<16xi32>
      %swap3A_527 = vector.shape_cast %select_n3A_511 : vector<16xi32> to vector<16xi32>
      tpu.vector_store %arg7[%swap3A_524], %swap3A_527 {strides = array<i32>} : memref<64xi32, #tpu.memory_space<vmem>>, vector<16xi32>,
      %get3A_528 = arith.constant 40 : index
      %get3A_529 = tpu.vector_load %arg6[%get3A_528] {strides = array<i32>} : memref<64xf32, #tpu.memory_space<vmem>>, vector<16xf32>,
      %get3A_530 = vector.shape_cast %get3A_529 : vector<16xf32> to vector<16xf32>
      %get3A_531 = arith.constant 40 : index
      %get3A_532 = tpu.vector_load %arg7[%get3A_531] {strides = array<i32>} : memref<64xi32, #tpu.memory_space<vmem>>, vector<16xi32>,
      %get3A_533 = vector.shape_cast %get3A_532 : vector<16xi32> to vector<16xi32>
      %gt3A_534 = arith.cmpf ogt, %get3A_530, %select_n3A_510 : vector<16xf32>
      %eq3A_535 = arith.cmpf oeq, %get3A_530, %select_n3A_510 : vector<16xf32>
      %gt3A_536 = arith.cmpi sgt, %get3A_533, %select_n3A_511 : vector<16xi32>
      %and3A_537 = arith.andi %eq3A_535, %gt3A_536 : vector<16xi1>
      %or3A_538 = arith.ori %gt3A_534, %and3A_537 : vector<16xi1>
      %select_n3A_539 = arith.select %or3A_538, %get3A_530, %select_n3A_510 : vector<16xi1>, vector<16xf32>
      %select_n3A_540 = arith.select %or3A_538, %get3A_533, %select_n3A_511 : vector<16xi1>, vector<16xi32>
      %swap3A_541 = arith.constant 32 : index
      %swap3A_542 = tpu.vector_load %arg6[%swap3A_541] {strides = array<i32>} : memref<64xf32, #tpu.memory_space<vmem>>, vector<16xf32>,
      %swap3A_543 = vector.shape_cast %swap3A_542 : vector<16xf32> to vector<16xf32>
      %swap3A_544 = vector.shape_cast %select_n3A_539 : vector<16xf32> to vector<16xf32>
      tpu.vector_store %arg6[%swap3A_541], %swap3A_544 {strides = array<i32>} : memref<64xf32, #tpu.memory_space<vmem>>, vector<16xf32>,
      %swap3A_545 = arith.constant 48 : index
      %swap3A_546 = tpu.vector_load %arg6[%swap3A_545] {strides = array<i32>} : memref<64xf32, #tpu.memory_space<vmem>>, vector<16xf32>,
      %swap3A_547 = vector.shape_cast %swap3A_546 : vector<16xf32> to vector<16xf32>
      %swap3A_548 = vector.shape_cast %select_n3A_539 : vector<16xf32> to vector<16xf32>
      tpu.vector_store %arg6[%swap3A_545], %swap3A_548 {strides = array<i32>} : memref<64xf32, #tpu.memory_space<vmem>>, vector<16xf32>,
      %swap3A_549 = arith.constant 32 : index
      %swap3A_550 = tpu.vector_load %arg7[%swap3A_549] {strides = array<i32>} : memref<64xi32, #tpu.memory_space<vmem>>, vector<16xi32>,
      %swap3A_551 = vector.shape_cast %swap3A_550 : vector<16xi32> to vector<16xi32>
      %swap3A_552 = vector.shape_cast %select_n3A_540 : vector<16xi32> to vector<16xi32>
      tpu.vector_store %arg7[%swap3A_549], %swap3A_552 {strides = array<i32>} : memref<64xi32, #tpu.memory_space<vmem>>, vector<16xi32>,
      %swap3A_553 = arith.constant 48 : index
      %swap3A_554 = tpu.vector_load %arg7[%swap3A_553] {strides = array<i32>} : memref<64xi32, #tpu.memory_space<vmem>>, vector<16xi32>,
      %swap3A_555 = vector.shape_cast %swap3A_554 : vector<16xi32> to vector<16xi32>
      %swap3A_556 = vector.shape_cast %select_n3A_540 : vector<16xi32> to vector<16xi32>
      tpu.vector_store %arg7[%swap3A_553], %swap3A_556 {strides = array<i32>} : memref<64xi32, #tpu.memory_space<vmem>>, vector<16xi32>,
      %get3A_557 = arith.constant 36 : index
      %get3A_558 = tpu.vector_load %arg6[%get3A_557] {strides = array<i32>} : memref<64xf32, #tpu.memory_space<vmem>>, vector<16xf32>,
      %get3A_559 = vector.shape_cast %get3A_558 : vector<16xf32> to vector<16xf32>
      %get3A_560 = arith.constant 36 : index
      %get3A_561 = tpu.vector_load %arg7[%get3A_560] {strides = array<i32>} : memref<64xi32, #tpu.memory_space<vmem>>, vector<16xi32>,
      %get3A_562 = vector.shape_cast %get3A_561 : vector<16xi32> to vector<16xi32>
      %gt3A_563 = arith.cmpf ogt, %get3A_559, %select_n3A_539 : vector<16xf32>
      %eq3A_564 = arith.cmpf oeq, %get3A_559, %select_n3A_539 : vector<16xf32>
      %gt3A_565 = arith.cmpi sgt, %get3A_562, %select_n3A_540 : vector<16xi32>
      %and3A_566 = arith.andi %eq3A_564, %gt3A_565 : vector<16xi1>
      %or3A_567 = arith.ori %gt3A_563, %and3A_566 : vector<16xi1>
      %select_n3A_568 = arith.select %or3A_567, %get3A_559, %select_n3A_539 : vector<16xi1>, vector<16xf32>
      %select_n3A_569 = arith.select %or3A_567, %get3A_562, %select_n3A_540 : vector<16xi1>, vector<16xi32>
      %swap3A_570 = arith.constant 32 : index
      %swap3A_571 = tpu.vector_load %arg6[%swap3A_570] {strides = array<i32>} : memref<64xf32, #tpu.memory_space<vmem>>, vector<16xf32>,
      %swap3A_572 = vector.shape_cast %swap3A_571 : vector<16xf32> to vector<16xf32>
      %swap3A_573 = vector.shape_cast %select_n3A_568 : vector<16xf32> to vector<16xf32>
      tpu.vector_store %arg6[%swap3A_570], %swap3A_573 {strides = array<i32>} : memref<64xf32, #tpu.memory_space<vmem>>, vector<16xf32>,
      %swap3A_574 = arith.constant 48 : index
      %swap3A_575 = tpu.vector_load %arg6[%swap3A_574] {strides = array<i32>} : memref<64xf32, #tpu.memory_space<vmem>>, vector<16xf32>,
      %swap3A_576 = vector.shape_cast %swap3A_575 : vector<16xf32> to vector<16xf32>
      %swap3A_577 = vector.shape_cast %select_n3A_568 : vector<16xf32> to vector<16xf32>
      tpu.vector_store %arg6[%swap3A_574], %swap3A_577 {strides = array<i32>} : memref<64xf32, #tpu.memory_space<vmem>>, vector<16xf32>,
      %swap3A_578 = arith.constant 32 : index
      %swap3A_579 = tpu.vector_load %arg7[%swap3A_578] {strides = array<i32>} : memref<64xi32, #tpu.memory_space<vmem>>, vector<16xi32>,
      %swap3A_580 = vector.shape_cast %swap3A_579 : vector<16xi32> to vector<16xi32>
      %swap3A_581 = vector.shape_cast %select_n3A_569 : vector<16xi32> to vector<16xi32>
      tpu.vector_store %arg7[%swap3A_578], %swap3A_581 {strides = array<i32>} : memref<64xi32, #tpu.memory_space<vmem>>, vector<16xi32>,
      %swap3A_582 = arith.constant 48 : index
      %swap3A_583 = tpu.vector_load %arg7[%swap3A_582] {strides = array<i32>} : memref<64xi32, #tpu.memory_space<vmem>>, vector<16xi32>,
      %swap3A_584 = vector.shape_cast %swap3A_583 : vector<16xi32> to vector<16xi32>
      %swap3A_585 = vector.shape_cast %select_n3A_569 : vector<16xi32> to vector<16xi32>
      tpu.vector_store %arg7[%swap3A_582], %swap3A_585 {strides = array<i32>} : memref<64xi32, #tpu.memory_space<vmem>>, vector<16xi32>,
      %get3A_586 = arith.constant 34 : index
      %get3A_587 = tpu.vector_load %arg6[%get3A_586] {strides = array<i32>} : memref<64xf32, #tpu.memory_space<vmem>>, vector<16xf32>,
      %get3A_588 = vector.shape_cast %get3A_587 : vector<16xf32> to vector<16xf32>
      %get3A_589 = arith.constant 34 : index
      %get3A_590 = tpu.vector_load %arg7[%get3A_589] {strides = array<i32>} : memref<64xi32, #tpu.memory_space<vmem>>, vector<16xi32>,
      %get3A_591 = vector.shape_cast %get3A_590 : vector<16xi32> to vector<16xi32>
      %gt3A_592 = arith.cmpf ogt, %get3A_588, %select_n3A_568 : vector<16xf32>
      %eq3A_593 = arith.cmpf oeq, %get3A_588, %select_n3A_568 : vector<16xf32>
      %gt3A_594 = arith.cmpi sgt, %get3A_591, %select_n3A_569 : vector<16xi32>
      %and3A_595 = arith.andi %eq3A_593, %gt3A_594 : vector<16xi1>
      %or3A_596 = arith.ori %gt3A_592, %and3A_595 : vector<16xi1>
      %select_n3A_597 = arith.select %or3A_596, %get3A_588, %select_n3A_568 : vector<16xi1>, vector<16xf32>
      %select_n3A_598 = arith.select %or3A_596, %get3A_591, %select_n3A_569 : vector<16xi1>, vector<16xi32>
      %swap3A_599 = arith.constant 32 : index
      %swap3A_600 = tpu.vector_load %arg6[%swap3A_599] {strides = array<i32>} : memref<64xf32, #tpu.memory_space<vmem>>, vector<16xf32>,
      %swap3A_601 = vector.shape_cast %swap3A_600 : vector<16xf32> to vector<16xf32>
      %swap3A_602 = vector.shape_cast %select_n3A_597 : vector<16xf32> to vector<16xf32>
      tpu.vector_store %arg6[%swap3A_599], %swap3A_602 {strides = array<i32>} : memref<64xf32, #tpu.memory_space<vmem>>, vector<16xf32>,
      %swap3A_603 = arith.constant 48 : index
      %swap3A_604 = tpu.vector_load %arg6[%swap3A_603] {strides = array<i32>} : memref<64xf32, #tpu.memory_space<vmem>>, vector<16xf32>,
      %swap3A_605 = vector.shape_cast %swap3A_604 : vector<16xf32> to vector<16xf32>
      %swap3A_606 = vector.shape_cast %select_n3A_597 : vector<16xf32> to vector<16xf32>
      tpu.vector_store %arg6[%swap3A_603], %swap3A_606 {strides = array<i32>} : memref<64xf32, #tpu.memory_space<vmem>>, vector<16xf32>,
      %swap3A_607 = arith.constant 32 : index
      %swap3A_608 = tpu.vector_load %arg7[%swap3A_607] {strides = array<i32>} : memref<64xi32, #tpu.memory_space<vmem>>, vector<16xi32>,
      %swap3A_609 = vector.shape_cast %swap3A_608 : vector<16xi32> to vector<16xi32>
      %swap3A_610 = vector.shape_cast %select_n3A_598 : vector<16xi32> to vector<16xi32>
      tpu.vector_store %arg7[%swap3A_607], %swap3A_610 {strides = array<i32>} : memref<64xi32, #tpu.memory_space<vmem>>, vector<16xi32>,
      %swap3A_611 = arith.constant 48 : index
      %swap3A_612 = tpu.vector_load %arg7[%swap3A_611] {strides = array<i32>} : memref<64xi32, #tpu.memory_space<vmem>>, vector<16xi32>,
      %swap3A_613 = vector.shape_cast %swap3A_612 : vector<16xi32> to vector<16xi32>
      %swap3A_614 = vector.shape_cast %select_n3A_598 : vector<16xi32> to vector<16xi32>
      tpu.vector_store %arg7[%swap3A_611], %swap3A_614 {strides = array<i32>} : memref<64xi32, #tpu.memory_space<vmem>>, vector<16xi32>,
      %get3A_615 = arith.constant 33 : index
      %get3A_616 = tpu.vector_load %arg6[%get3A_615] {strides = array<i32>} : memref<64xf32, #tpu.memory_space<vmem>>, vector<16xf32>,
      %get3A_617 = vector.shape_cast %get3A_616 : vector<16xf32> to vector<16xf32>
      %get3A_618 = arith.constant 33 : index
      %get3A_619 = tpu.vector_load %arg7[%get3A_618] {strides = array<i32>} : memref<64xi32, #tpu.memory_space<vmem>>, vector<16xi32>,
      %get3A_620 = vector.shape_cast %get3A_619 : vector<16xi32> to vector<16xi32>
      %gt3A_621 = arith.cmpf ogt, %get3A_617, %select_n3A_597 : vector<16xf32>
      %eq3A_622 = arith.cmpf oeq, %get3A_617, %select_n3A_597 : vector<16xf32>
      %gt3A_623 = arith.cmpi sgt, %get3A_620, %select_n3A_598 : vector<16xi32>
      %and3A_624 = arith.andi %eq3A_622, %gt3A_623 : vector<16xi1>
      %or3A_625 = arith.ori %gt3A_621, %and3A_624 : vector<16xi1>
      %select_n3A_626 = arith.select %or3A_625, %get3A_617, %select_n3A_597 : vector<16xi1>, vector<16xf32>
      %select_n3A_627 = arith.select %or3A_625, %get3A_620, %select_n3A_598 : vector<16xi1>, vector<16xi32>
      %broadcast_in_dim3A_628 = arith.constant 49 : i32
      %broadcast_in_dim3A_629 = vector.broadcast %broadcast_in_dim3A_628 : i32 to vector<16xi32>
      %sub3A = vector.broadcast %scan3A_237 : i32 to vector<16xi32>
      %sub3A_630 = arith.subi %broadcast_in_dim3A_629, %sub3A : vector<16xi32>
      %add3A_631 = arith.constant 0 : i32
      %add3A_632 = vector.broadcast %add3A_631 : i32 to vector<16xi32>
      %add3A_633 = arith.addi %iota3A, %add3A_632 : vector<16xi32>
      %eq3A_634 = arith.cmpi eq, %add3A_633, %sub3A_630 : vector<16xi32>
      %convert_element_type3A = arith.sitofp %select_n3A_445 : vector<16xi32> to vector<16xf32>
      %select_n3A_635 = arith.select %eq3A_634, %convert_element_type3A, %scan3A_262 : vector<16xi1>, vector<16xf32>
      %add3A_636 = arith.constant 16 : i32
      %add3A_637 = vector.broadcast %add3A_636 : i32 to vector<16xi32>
      %add3A_638 = arith.addi %iota3A, %add3A_637 : vector<16xi32>
      %eq3A_639 = arith.cmpi eq, %add3A_638, %sub3A_630 : vector<16xi32>
      %convert_element_type3A_640 = arith.sitofp %select_n3A_445 : vector<16xi32> to vector<16xf32>
      %select_n3A_641 = arith.select %eq3A_639, %convert_element_type3A_640, %scan3A_263 : vector<16xi1>, vector<16xf32>
      %add3A_642 = arith.constant 32 : i32
      %add3A_643 = vector.broadcast %add3A_642 : i32 to vector<16xi32>
      %add3A_644 = arith.addi %iota3A, %add3A_643 : vector<16xi32>
      %eq3A_645 = arith.cmpi eq, %add3A_644, %sub3A_630 : vector<16xi32>
      %convert_element_type3A_646 = arith.sitofp %select_n3A_445 : vector<16xi32> to vector<16xf32>
      %select_n3A_647 = arith.select %eq3A_645, %convert_element_type3A_646, %scan3A_264 : vector<16xi1>, vector<16xf32>
      %add3A_648 = arith.constant 48 : i32
      %add3A_649 = vector.broadcast %add3A_648 : i32 to vector<16xi32>
      %add3A_650 = arith.addi %iota3A, %add3A_649 : vector<16xi32>
      %eq3A_651 = arith.cmpi eq, %add3A_650, %sub3A_630 : vector<16xi32>
      %convert_element_type3A_652 = arith.sitofp %select_n3A_445 : vector<16xi32> to vector<16xf32>
      %select_n3A_653 = arith.select %eq3A_651, %convert_element_type3A_652, %scan3A_265 : vector<16xi1>, vector<16xf32>
      %add3A_654 = arith.constant 0 : i32
      %add3A_655 = vector.broadcast %add3A_654 : i32 to vector<16xi32>
      %add3A_656 = arith.addi %iota3A, %add3A_655 : vector<16xi32>
      %eq3A_657 = arith.cmpi eq, %add3A_656, %sub3A_630 : vector<16xi32>
      %convert_element_type3A_658 = arith.sitofp %select_n3A_627 : vector<16xi32> to vector<16xf32>
      %select_n3A_659 = arith.select %eq3A_657, %convert_element_type3A_658, %scan3A_266 : vector<16xi1>, vector<16xf32>
      %add3A_660 = arith.constant 16 : i32
      %add3A_661 = vector.broadcast %add3A_660 : i32 to vector<16xi32>
      %add3A_662 = arith.addi %iota3A, %add3A_661 : vector<16xi32>
      %eq3A_663 = arith.cmpi eq, %add3A_662, %sub3A_630 : vector<16xi32>
      %convert_element_type3A_664 = arith.sitofp %select_n3A_627 : vector<16xi32> to vector<16xf32>
      %select_n3A_665 = arith.select %eq3A_663, %convert_element_type3A_664, %scan3A_267 : vector<16xi1>, vector<16xf32>
      %add3A_666 = arith.constant 32 : i32
      %add3A_667 = vector.broadcast %add3A_666 : i32 to vector<16xi32>
      %add3A_668 = arith.addi %iota3A, %add3A_667 : vector<16xi32>
      %eq3A_669 = arith.cmpi eq, %add3A_668, %sub3A_630 : vector<16xi32>
      %convert_element_type3A_670 = arith.sitofp %select_n3A_627 : vector<16xi32> to vector<16xf32>
      %select_n3A_671 = arith.select %eq3A_669, %convert_element_type3A_670, %scan3A_268 : vector<16xi1>, vector<16xf32>
      %add3A_672 = arith.constant 48 : i32
      %add3A_673 = vector.broadcast %add3A_672 : i32 to vector<16xi32>
      %add3A_674 = arith.addi %iota3A, %add3A_673 : vector<16xi32>
      %eq3A_675 = arith.cmpi eq, %add3A_674, %sub3A_630 : vector<16xi32>
      %convert_element_type3A_676 = arith.sitofp %select_n3A_627 : vector<16xi32> to vector<16xf32>
      %select_n3A_677 = arith.select %eq3A_675, %convert_element_type3A_676, %scan3A_269 : vector<16xi1>, vector<16xf32>
      %add3A_678 = arith.constant 0 : i32
      %add3A_679 = vector.broadcast %add3A_678 : i32 to vector<16xi32>
      %add3A_680 = arith.addi %iota3A, %add3A_679 : vector<16xi32>
      %eq3A_681 = arith.cmpi eq, %add3A_680, %select_n3A_445 : vector<16xi32>
      %jit3A = arith.constant -2.000000e+00 : f32
      %broadcast_in_dim3A_682 = vector.broadcast %jit3A : f32 to vector<16xf32>
      %select_n3A_683 = arith.select %eq3A_681, %broadcast_in_dim3A_682, %scan3A_238 : vector<16xi1>, vector<16xf32>
      %add3A_684 = arith.constant 16 : i32
      %add3A_685 = vector.broadcast %add3A_684 : i32 to vector<16xi32>
      %add3A_686 = arith.addi %iota3A, %add3A_685 : vector<16xi32>
      %eq3A_687 = arith.cmpi eq, %add3A_686, %select_n3A_445 : vector<16xi32>
      %jit3A_688 = arith.constant -2.000000e+00 : f32
      %broadcast_in_dim3A_689 = vector.broadcast %jit3A_688 : f32 to vector<16xf32>
      %select_n3A_690 = arith.select %eq3A_687, %broadcast_in_dim3A_689, %scan3A_239 : vector<16xi1>, vector<16xf32>
      %add3A_691 = arith.constant 32 : i32
      %add3A_692 = vector.broadcast %add3A_691 : i32 to vector<16xi32>
      %add3A_693 = arith.addi %iota3A, %add3A_692 : vector<16xi32>
      %eq3A_694 = arith.cmpi eq, %add3A_693, %select_n3A_445 : vector<16xi32>
      %jit3A_695 = arith.constant -2.000000e+00 : f32
      %broadcast_in_dim3A_696 = vector.broadcast %jit3A_695 : f32 to vector<16xf32>
      %select_n3A_697 = arith.select %eq3A_694, %broadcast_in_dim3A_696, %scan3A_240 : vector<16xi1>, vector<16xf32>
      %add3A_698 = arith.constant 48 : i32
      %add3A_699 = vector.broadcast %add3A_698 : i32 to vector<16xi32>
      %add3A_700 = arith.addi %iota3A, %add3A_699 : vector<16xi32>
      %eq3A_701 = arith.cmpi eq, %add3A_700, %select_n3A_445 : vector<16xi32>
      %jit3A_702 = arith.constant -2.000000e+00 : f32
      %broadcast_in_dim3A_703 = vector.broadcast %jit3A_702 : f32 to vector<16xf32>
      %select_n3A_704 = arith.select %eq3A_701, %broadcast_in_dim3A_703, %scan3A_241 : vector<16xi1>, vector<16xf32>
      %add3A_705 = arith.constant 64 : i32
      %add3A_706 = vector.broadcast %add3A_705 : i32 to vector<16xi32>
      %add3A_707 = arith.addi %iota3A, %add3A_706 : vector<16xi32>
      %eq3A_708 = arith.cmpi eq, %add3A_707, %select_n3A_445 : vector<16xi32>
      %jit3A_709 = arith.constant -2.000000e+00 : f32
      %broadcast_in_dim3A_710 = vector.broadcast %jit3A_709 : f32 to vector<16xf32>
      %select_n3A_711 = arith.select %eq3A_708, %broadcast_in_dim3A_710, %scan3A_242 : vector<16xi1>, vector<16xf32>
      %add3A_712 = arith.constant 80 : i32
      %add3A_713 = vector.broadcast %add3A_712 : i32 to vector<16xi32>
      %add3A_714 = arith.addi %iota3A, %add3A_713 : vector<16xi32>
      %eq3A_715 = arith.cmpi eq, %add3A_714, %select_n3A_445 : vector<16xi32>
      %jit3A_716 = arith.constant -2.000000e+00 : f32
      %broadcast_in_dim3A_717 = vector.broadcast %jit3A_716 : f32 to vector<16xf32>
      %select_n3A_718 = arith.select %eq3A_715, %broadcast_in_dim3A_717, %scan3A_243 : vector<16xi1>, vector<16xf32>
      %add3A_719 = arith.constant 96 : i32
      %add3A_720 = vector.broadcast %add3A_719 : i32 to vector<16xi32>
      %add3A_721 = arith.addi %iota3A, %add3A_720 : vector<16xi32>
      %eq3A_722 = arith.cmpi eq, %add3A_721, %select_n3A_445 : vector<16xi32>
      %jit3A_723 = arith.constant -2.000000e+00 : f32
      %broadcast_in_dim3A_724 = vector.broadcast %jit3A_723 : f32 to vector<16xf32>
      %select_n3A_725 = arith.select %eq3A_722, %broadcast_in_dim3A_724, %scan3A_244 : vector<16xi1>, vector<16xf32>
      %add3A_726 = arith.constant 112 : i32
      %add3A_727 = vector.broadcast %add3A_726 : i32 to vector<16xi32>
      %add3A_728 = arith.addi %iota3A, %add3A_727 : vector<16xi32>
      %eq3A_729 = arith.cmpi eq, %add3A_728, %select_n3A_445 : vector<16xi32>
      %jit3A_730 = arith.constant -2.000000e+00 : f32
      %broadcast_in_dim3A_731 = vector.broadcast %jit3A_730 : f32 to vector<16xf32>
      %select_n3A_732 = arith.select %eq3A_729, %broadcast_in_dim3A_731, %scan3A_245 : vector<16xi1>, vector<16xf32>
      %add3A_733 = arith.constant 128 : i32
      %add3A_734 = vector.broadcast %add3A_733 : i32 to vector<16xi32>
      %add3A_735 = arith.addi %iota3A, %add3A_734 : vector<16xi32>
      %eq3A_736 = arith.cmpi eq, %add3A_735, %select_n3A_445 : vector<16xi32>
      %jit3A_737 = arith.constant -2.000000e+00 : f32
      %broadcast_in_dim3A_738 = vector.broadcast %jit3A_737 : f32 to vector<16xf32>
      %select_n3A_739 = arith.select %eq3A_736, %broadcast_in_dim3A_738, %scan3A_246 : vector<16xi1>, vector<16xf32>
      %add3A_740 = arith.constant 144 : i32
      %add3A_741 = vector.broadcast %add3A_740 : i32 to vector<16xi32>
      %add3A_742 = arith.addi %iota3A, %add3A_741 : vector<16xi32>
      %eq3A_743 = arith.cmpi eq, %add3A_742, %select_n3A_445 : vector<16xi32>
      %jit3A_744 = arith.constant -2.000000e+00 : f32
      %broadcast_in_dim3A_745 = vector.broadcast %jit3A_744 : f32 to vector<16xf32>
      %select_n3A_746 = arith.select %eq3A_743, %broadcast_in_dim3A_745, %scan3A_247 : vector<16xi1>, vector<16xf32>
      %add3A_747 = arith.constant 160 : i32
      %add3A_748 = vector.broadcast %add3A_747 : i32 to vector<16xi32>
      %add3A_749 = arith.addi %iota3A, %add3A_748 : vector<16xi32>
      %eq3A_750 = arith.cmpi eq, %add3A_749, %select_n3A_445 : vector<16xi32>
      %jit3A_751 = arith.constant -2.000000e+00 : f32
      %broadcast_in_dim3A_752 = vector.broadcast %jit3A_751 : f32 to vector<16xf32>
      %select_n3A_753 = arith.select %eq3A_750, %broadcast_in_dim3A_752, %scan3A_248 : vector<16xi1>, vector<16xf32>
      %add3A_754 = arith.constant 176 : i32
      %add3A_755 = vector.broadcast %add3A_754 : i32 to vector<16xi32>
      %add3A_756 = arith.addi %iota3A, %add3A_755 : vector<16xi32>
      %eq3A_757 = arith.cmpi eq, %add3A_756, %select_n3A_445 : vector<16xi32>
      %jit3A_758 = arith.constant -2.000000e+00 : f32
      %broadcast_in_dim3A_759 = vector.broadcast %jit3A_758 : f32 to vector<16xf32>
      %select_n3A_760 = arith.select %eq3A_757, %broadcast_in_dim3A_759, %scan3A_249 : vector<16xi1>, vector<16xf32>
      %add3A_761 = arith.constant 0 : i32
      %add3A_762 = vector.broadcast %add3A_761 : i32 to vector<16xi32>
      %add3A_763 = arith.addi %iota3A, %add3A_762 : vector<16xi32>
      %eq3A_764 = arith.cmpi eq, %add3A_763, %select_n3A_627 : vector<16xi32>
      %jit3A_765 = arith.constant -2.000000e+00 : f32
      %broadcast_in_dim3A_766 = vector.broadcast %jit3A_765 : f32 to vector<16xf32>
      %select_n3A_767 = arith.select %eq3A_764, %broadcast_in_dim3A_766, %scan3A_250 : vector<16xi1>, vector<16xf32>
      %add3A_768 = arith.constant 16 : i32
      %add3A_769 = vector.broadcast %add3A_768 : i32 to vector<16xi32>
      %add3A_770 = arith.addi %iota3A, %add3A_769 : vector<16xi32>
      %eq3A_771 = arith.cmpi eq, %add3A_770, %select_n3A_627 : vector<16xi32>
      %jit3A_772 = arith.constant -2.000000e+00 : f32
      %broadcast_in_dim3A_773 = vector.broadcast %jit3A_772 : f32 to vector<16xf32>
      %select_n3A_774 = arith.select %eq3A_771, %broadcast_in_dim3A_773, %scan3A_251 : vector<16xi1>, vector<16xf32>
      %add3A_775 = arith.constant 32 : i32
      %add3A_776 = vector.broadcast %add3A_775 : i32 to vector<16xi32>
      %add3A_777 = arith.addi %iota3A, %add3A_776 : vector<16xi32>
      %eq3A_778 = arith.cmpi eq, %add3A_777, %select_n3A_627 : vector<16xi32>
      %jit3A_779 = arith.constant -2.000000e+00 : f32
      %broadcast_in_dim3A_780 = vector.broadcast %jit3A_779 : f32 to vector<16xf32>
      %select_n3A_781 = arith.select %eq3A_778, %broadcast_in_dim3A_780, %scan3A_252 : vector<16xi1>, vector<16xf32>
      %add3A_782 = arith.constant 48 : i32
      %add3A_783 = vector.broadcast %add3A_782 : i32 to vector<16xi32>
      %add3A_784 = arith.addi %iota3A, %add3A_783 : vector<16xi32>
      %eq3A_785 = arith.cmpi eq, %add3A_784, %select_n3A_627 : vector<16xi32>
      %jit3A_786 = arith.constant -2.000000e+00 : f32
      %broadcast_in_dim3A_787 = vector.broadcast %jit3A_786 : f32 to vector<16xf32>
      %select_n3A_788 = arith.select %eq3A_785, %broadcast_in_dim3A_787, %scan3A_253 : vector<16xi1>, vector<16xf32>
      %add3A_789 = arith.constant 64 : i32
      %add3A_790 = vector.broadcast %add3A_789 : i32 to vector<16xi32>
      %add3A_791 = arith.addi %iota3A, %add3A_790 : vector<16xi32>
      %eq3A_792 = arith.cmpi eq, %add3A_791, %select_n3A_627 : vector<16xi32>
      %jit3A_793 = arith.constant -2.000000e+00 : f32
      %broadcast_in_dim3A_794 = vector.broadcast %jit3A_793 : f32 to vector<16xf32>
      %select_n3A_795 = arith.select %eq3A_792, %broadcast_in_dim3A_794, %scan3A_254 : vector<16xi1>, vector<16xf32>
      %add3A_796 = arith.constant 80 : i32
      %add3A_797 = vector.broadcast %add3A_796 : i32 to vector<16xi32>
      %add3A_798 = arith.addi %iota3A, %add3A_797 : vector<16xi32>
      %eq3A_799 = arith.cmpi eq, %add3A_798, %select_n3A_627 : vector<16xi32>
      %jit3A_800 = arith.constant -2.000000e+00 : f32
      %broadcast_in_dim3A_801 = vector.broadcast %jit3A_800 : f32 to vector<16xf32>
      %select_n3A_802 = arith.select %eq3A_799, %broadcast_in_dim3A_801, %scan3A_255 : vector<16xi1>, vector<16xf32>
      %add3A_803 = arith.constant 96 : i32
      %add3A_804 = vector.broadcast %add3A_803 : i32 to vector<16xi32>
      %add3A_805 = arith.addi %iota3A, %add3A_804 : vector<16xi32>
      %eq3A_806 = arith.cmpi eq, %add3A_805, %select_n3A_627 : vector<16xi32>
      %jit3A_807 = arith.constant -2.000000e+00 : f32
      %broadcast_in_dim3A_808 = vector.broadcast %jit3A_807 : f32 to vector<16xf32>
      %select_n3A_809 = arith.select %eq3A_806, %broadcast_in_dim3A_808, %scan3A_256 : vector<16xi1>, vector<16xf32>
      %add3A_810 = arith.constant 112 : i32
      %add3A_811 = vector.broadcast %add3A_810 : i32 to vector<16xi32>
      %add3A_812 = arith.addi %iota3A, %add3A_811 : vector<16xi32>
      %eq3A_813 = arith.cmpi eq, %add3A_812, %select_n3A_627 : vector<16xi32>
      %jit3A_814 = arith.constant -2.000000e+00 : f32
      %broadcast_in_dim3A_815 = vector.broadcast %jit3A_814 : f32 to vector<16xf32>
      %select_n3A_816 = arith.select %eq3A_813, %broadcast_in_dim3A_815, %scan3A_257 : vector<16xi1>, vector<16xf32>
      %add3A_817 = arith.constant 128 : i32
      %add3A_818 = vector.broadcast %add3A_817 : i32 to vector<16xi32>
      %add3A_819 = arith.addi %iota3A, %add3A_818 : vector<16xi32>
      %eq3A_820 = arith.cmpi eq, %add3A_819, %select_n3A_627 : vector<16xi32>
      %jit3A_821 = arith.constant -2.000000e+00 : f32
      %broadcast_in_dim3A_822 = vector.broadcast %jit3A_821 : f32 to vector<16xf32>
      %select_n3A_823 = arith.select %eq3A_820, %broadcast_in_dim3A_822, %scan3A_258 : vector<16xi1>, vector<16xf32>
      %add3A_824 = arith.constant 144 : i32
      %add3A_825 = vector.broadcast %add3A_824 : i32 to vector<16xi32>
      %add3A_826 = arith.addi %iota3A, %add3A_825 : vector<16xi32>
      %eq3A_827 = arith.cmpi eq, %add3A_826, %select_n3A_627 : vector<16xi32>
      %jit3A_828 = arith.constant -2.000000e+00 : f32
      %broadcast_in_dim3A_829 = vector.broadcast %jit3A_828 : f32 to vector<16xf32>
      %select_n3A_830 = arith.select %eq3A_827, %broadcast_in_dim3A_829, %scan3A_259 : vector<16xi1>, vector<16xf32>
      %add3A_831 = arith.constant 160 : i32
      %add3A_832 = vector.broadcast %add3A_831 : i32 to vector<16xi32>
      %add3A_833 = arith.addi %iota3A, %add3A_832 : vector<16xi32>
      %eq3A_834 = arith.cmpi eq, %add3A_833, %select_n3A_627 : vector<16xi32>
      %jit3A_835 = arith.constant -2.000000e+00 : f32
      %broadcast_in_dim3A_836 = vector.broadcast %jit3A_835 : f32 to vector<16xf32>
      %select_n3A_837 = arith.select %eq3A_834, %broadcast_in_dim3A_836, %scan3A_260 : vector<16xi1>, vector<16xf32>
      %add3A_838 = arith.constant 176 : i32
      %add3A_839 = vector.broadcast %add3A_838 : i32 to vector<16xi32>
      %add3A_840 = arith.addi %iota3A, %add3A_839 : vector<16xi32>
      %eq3A_841 = arith.cmpi eq, %add3A_840, %select_n3A_627 : vector<16xi32>
      %jit3A_842 = arith.constant -2.000000e+00 : f32
      %broadcast_in_dim3A_843 = vector.broadcast %jit3A_842 : f32 to vector<16xf32>
      %select_n3A_844 = arith.select %eq3A_841, %broadcast_in_dim3A_843, %scan3A_261 : vector<16xi1>, vector<16xf32>
      scf.yield %select_n3A_683, %select_n3A_690, %select_n3A_697, %select_n3A_704, %select_n3A_711, %select_n3A_718, %select_n3A_725, %select_n3A_732, %select_n3A_739, %select_n3A_746, %select_n3A_753, %select_n3A_760, %select_n3A_767, %select_n3A_774, %select_n3A_781, %select_n3A_788, %select_n3A_795, %select_n3A_802, %select_n3A_809, %select_n3A_816, %select_n3A_823, %select_n3A_830, %select_n3A_837, %select_n3A_844, %select_n3A_635, %select_n3A_641, %select_n3A_647, %select_n3A_653, %select_n3A_659, %select_n3A_665, %select_n3A_671, %select_n3A_677 : vector<16xf32>, vector<16xf32>, vector<16xf32>, vector<16xf32>, vector<16xf32>, vector<16xf32>, vector<16xf32>, vector<16xf32>, vector<16xf32>, vector<16xf32>, vector<16xf32>, vector<16xf32>, vector<16xf32>, vector<16xf32>, vector<16xf32>, vector<16xf32>, vector<16xf32>, vector<16xf32>, vector<16xf32>, vector<16xf32>, vector<16xf32>, vector<16xf32>, vector<16xf32>, vector<16xf32>, vector<16xf32>, vector<16xf32>, vector<16xf32>, vector<16xf32>, vector<16xf32>, vector<16xf32>, vector<16xf32>, vector<16xf32>
    }
    %scan3A_85 = arith.constant 50 : i32
    %swap3A = arith.constant 0 : index
    %swap3A_86 = tpu.vector_load %arg5[%swap3A] {strides = array<i32>} : memref<256xf32, #tpu.memory_space<vmem>>, vector<16xf32>,
    %swap3A_87 = vector.shape_cast %swap3A_86 : vector<16xf32> to vector<16xf32>
    %swap3A_88 = vector.shape_cast %scan3A_84#24 : vector<16xf32> to vector<16xf32>
    tpu.vector_store %arg5[%swap3A], %swap3A_88 {strides = array<i32>} : memref<256xf32, #tpu.memory_space<vmem>>, vector<16xf32>,
    %swap3A_89 = arith.constant 64 : index
    %swap3A_90 = tpu.vector_load %arg5[%swap3A_89] {strides = array<i32>} : memref<256xf32, #tpu.memory_space<vmem>>, vector<16xf32>,
    %swap3A_91 = vector.shape_cast %swap3A_90 : vector<16xf32> to vector<16xf32>
    %swap3A_92 = vector.shape_cast %scan3A_84#28 : vector<16xf32> to vector<16xf32>
    tpu.vector_store %arg5[%swap3A_89], %swap3A_92 {strides = array<i32>} : memref<256xf32, #tpu.memory_space<vmem>>, vector<16xf32>,
    %swap3A_93 = arith.constant 16 : index
    %swap3A_94 = tpu.vector_load %arg5[%swap3A_93] {strides = array<i32>} : memref<256xf32, #tpu.memory_space<vmem>>, vector<16xf32>,
    %swap3A_95 = vector.shape_cast %swap3A_94 : vector<16xf32> to vector<16xf32>
    %swap3A_96 = vector.shape_cast %scan3A_84#25 : vector<16xf32> to vector<16xf32>
    tpu.vector_store %arg5[%swap3A_93], %swap3A_96 {strides = array<i32>} : memref<256xf32, #tpu.memory_space<vmem>>, vector<16xf32>,
    %swap3A_97 = arith.constant 80 : index
    %swap3A_98 = tpu.vector_load %arg5[%swap3A_97] {strides = array<i32>} : memref<256xf32, #tpu.memory_space<vmem>>, vector<16xf32>,
    %swap3A_99 = vector.shape_cast %swap3A_98 : vector<16xf32> to vector<16xf32>
    %swap3A_100 = vector.shape_cast %scan3A_84#29 : vector<16xf32> to vector<16xf32>
    tpu.vector_store %arg5[%swap3A_97], %swap3A_100 {strides = array<i32>} : memref<256xf32, #tpu.memory_space<vmem>>, vector<16xf32>,
    %swap3A_101 = arith.constant 32 : index
    %swap3A_102 = tpu.vector_load %arg5[%swap3A_101] {strides = array<i32>} : memref<256xf32, #tpu.memory_space<vmem>>, vector<16xf32>,
    %swap3A_103 = vector.shape_cast %swap3A_102 : vector<16xf32> to vector<16xf32>
    %swap3A_104 = vector.shape_cast %scan3A_84#26 : vector<16xf32> to vector<16xf32>
    tpu.vector_store %arg5[%swap3A_101], %swap3A_104 {strides = array<i32>} : memref<256xf32, #tpu.memory_space<vmem>>, vector<16xf32>,
    %swap3A_105 = arith.constant 96 : index
    %swap3A_106 = tpu.vector_load %arg5[%swap3A_105] {strides = array<i32>} : memref<256xf32, #tpu.memory_space<vmem>>, vector<16xf32>,
    %swap3A_107 = vector.shape_cast %swap3A_106 : vector<16xf32> to vector<16xf32>
    %swap3A_108 = vector.shape_cast %scan3A_84#30 : vector<16xf32> to vector<16xf32>
    tpu.vector_store %arg5[%swap3A_105], %swap3A_108 {strides = array<i32>} : memref<256xf32, #tpu.memory_space<vmem>>, vector<16xf32>,
    %swap3A_109 = arith.constant 48 : index
    %swap3A_110 = tpu.vector_load %arg5[%swap3A_109] {strides = array<i32>} : memref<256xf32, #tpu.memory_space<vmem>>, vector<16xf32>,
    %swap3A_111 = vector.shape_cast %swap3A_110 : vector<16xf32> to vector<16xf32>
    %swap3A_112 = vector.shape_cast %scan3A_84#27 : vector<16xf32> to vector<16xf32>
    tpu.vector_store %arg5[%swap3A_109], %swap3A_112 {strides = array<i32>} : memref<256xf32, #tpu.memory_space<vmem>>, vector<16xf32>,
    %swap3A_113 = arith.constant 112 : index
    %swap3A_114 = tpu.vector_load %arg5[%swap3A_113] {strides = array<i32>} : memref<256xf32, #tpu.memory_space<vmem>>, vector<16xf32>,
    %swap3A_115 = vector.shape_cast %swap3A_114 : vector<16xf32> to vector<16xf32>
    %swap3A_116 = vector.shape_cast %scan3A_84#31 : vector<16xf32> to vector<16xf32>
    tpu.vector_store %arg5[%swap3A_113], %swap3A_116 {strides = array<i32>} : memref<256xf32, #tpu.memory_space<vmem>>, vector<16xf32>,
    %get3A_117 = arith.constant 384 : index
    %get3A_118 = tpu.vector_load %arg4[%get3A_117] {strides = array<i32>} : memref<768xf32, #tpu.memory_space<vmem>>, vector<16xf32>,
    %get3A_119 = vector.shape_cast %get3A_118 : vector<16xf32> to vector<16xf32>
    %get3A_120 = arith.constant 400 : index
    %get3A_121 = tpu.vector_load %arg4[%get3A_120] {strides = array<i32>} : memref<768xf32, #tpu.memory_space<vmem>>, vector<16xf32>,
    %get3A_122 = vector.shape_cast %get3A_121 : vector<16xf32> to vector<16xf32>
    %get3A_123 = arith.constant 416 : index
    %get3A_124 = tpu.vector_load %arg4[%get3A_123] {strides = array<i32>} : memref<768xf32, #tpu.memory_space<vmem>>, vector<16xf32>,
    %get3A_125 = vector.shape_cast %get3A_124 : vector<16xf32> to vector<16xf32>
    %get3A_126 = arith.constant 432 : index
    %get3A_127 = tpu.vector_load %arg4[%get3A_126] {strides = array<i32>} : memref<768xf32, #tpu.memory_space<vmem>>, vector<16xf32>,
    %get3A_128 = vector.shape_cast %get3A_127 : vector<16xf32> to vector<16xf32>
    %get3A_129 = arith.constant 448 : index
    %get3A_130 = tpu.vector_load %arg4[%get3A_129] {strides = array<i32>} : memref<768xf32, #tpu.memory_space<vmem>>, vector<16xf32>,
    %get3A_131 = vector.shape_cast %get3A_130 : vector<16xf32> to vector<16xf32>
    %get3A_132 = arith.constant 464 : index
    %get3A_133 = tpu.vector_load %arg4[%get3A_132] {strides = array<i32>} : memref<768xf32, #tpu.memory_space<vmem>>, vector<16xf32>,
    %get3A_134 = vector.shape_cast %get3A_133 : vector<16xf32> to vector<16xf32>
    %get3A_135 = arith.constant 480 : index
    %get3A_136 = tpu.vector_load %arg4[%get3A_135] {strides = array<i32>} : memref<768xf32, #tpu.memory_space<vmem>>, vector<16xf32>,
    %get3A_137 = vector.shape_cast %get3A_136 : vector<16xf32> to vector<16xf32>
    %get3A_138 = arith.constant 496 : index
    %get3A_139 = tpu.vector_load %arg4[%get3A_138] {strides = array<i32>} : memref<768xf32, #tpu.memory_space<vmem>>, vector<16xf32>,
    %get3A_140 = vector.shape_cast %get3A_139 : vector<16xf32> to vector<16xf32>
    %get3A_141 = arith.constant 512 : index
    %get3A_142 = tpu.vector_load %arg4[%get3A_141] {strides = array<i32>} : memref<768xf32, #tpu.memory_space<vmem>>, vector<16xf32>,
    %get3A_143 = vector.shape_cast %get3A_142 : vector<16xf32> to vector<16xf32>
    %get3A_144 = arith.constant 528 : index
    %get3A_145 = tpu.vector_load %arg4[%get3A_144] {strides = array<i32>} : memref<768xf32, #tpu.memory_space<vmem>>, vector<16xf32>,
    %get3A_146 = vector.shape_cast %get3A_145 : vector<16xf32> to vector<16xf32>
    %get3A_147 = arith.constant 544 : index
    %get3A_148 = tpu.vector_load %arg4[%get3A_147] {strides = array<i32>} : memref<768xf32, #tpu.memory_space<vmem>>, vector<16xf32>,
    %get3A_149 = vector.shape_cast %get3A_148 : vector<16xf32> to vector<16xf32>
    %get3A_150 = arith.constant 560 : index
    %get3A_151 = tpu.vector_load %arg4[%get3A_150] {strides = array<i32>} : memref<768xf32, #tpu.memory_space<vmem>>, vector<16xf32>,
    %get3A_152 = vector.shape_cast %get3A_151 : vector<16xf32> to vector<16xf32>
    %get3A_153 = arith.constant 576 : index
    %get3A_154 = tpu.vector_load %arg4[%get3A_153] {strides = array<i32>} : memref<768xf32, #tpu.memory_space<vmem>>, vector<16xf32>,
    %get3A_155 = vector.shape_cast %get3A_154 : vector<16xf32> to vector<16xf32>
    %get3A_156 = arith.constant 592 : index
    %get3A_157 = tpu.vector_load %arg4[%get3A_156] {strides = array<i32>} : memref<768xf32, #tpu.memory_space<vmem>>, vector<16xf32>,
    %get3A_158 = vector.shape_cast %get3A_157 : vector<16xf32> to vector<16xf32>
    %get3A_159 = arith.constant 608 : index
    %get3A_160 = tpu.vector_load %arg4[%get3A_159] {strides = array<i32>} : memref<768xf32, #tpu.memory_space<vmem>>, vector<16xf32>,
    %get3A_161 = vector.shape_cast %get3A_160 : vector<16xf32> to vector<16xf32>
    %get3A_162 = arith.constant 624 : index
    %get3A_163 = tpu.vector_load %arg4[%get3A_162] {strides = array<i32>} : memref<768xf32, #tpu.memory_space<vmem>>, vector<16xf32>,
    %get3A_164 = vector.shape_cast %get3A_163 : vector<16xf32> to vector<16xf32>
    %get3A_165 = arith.constant 640 : index
    %get3A_166 = tpu.vector_load %arg4[%get3A_165] {strides = array<i32>} : memref<768xf32, #tpu.memory_space<vmem>>, vector<16xf32>,
    %get3A_167 = vector.shape_cast %get3A_166 : vector<16xf32> to vector<16xf32>
    %get3A_168 = arith.constant 656 : index
    %get3A_169 = tpu.vector_load %arg4[%get3A_168] {strides = array<i32>} : memref<768xf32, #tpu.memory_space<vmem>>, vector<16xf32>,
    %get3A_170 = vector.shape_cast %get3A_169 : vector<16xf32> to vector<16xf32>
    %get3A_171 = arith.constant 672 : index
    %get3A_172 = tpu.vector_load %arg4[%get3A_171] {strides = array<i32>} : memref<768xf32, #tpu.memory_space<vmem>>, vector<16xf32>,
    %get3A_173 = vector.shape_cast %get3A_172 : vector<16xf32> to vector<16xf32>
    %get3A_174 = arith.constant 688 : index
    %get3A_175 = tpu.vector_load %arg4[%get3A_174] {strides = array<i32>} : memref<768xf32, #tpu.memory_space<vmem>>, vector<16xf32>,
    %get3A_176 = vector.shape_cast %get3A_175 : vector<16xf32> to vector<16xf32>
    %get3A_177 = arith.constant 704 : index
    %get3A_178 = tpu.vector_load %arg4[%get3A_177] {strides = array<i32>} : memref<768xf32, #tpu.memory_space<vmem>>, vector<16xf32>,
    %get3A_179 = vector.shape_cast %get3A_178 : vector<16xf32> to vector<16xf32>
    %get3A_180 = arith.constant 720 : index
    %get3A_181 = tpu.vector_load %arg4[%get3A_180] {strides = array<i32>} : memref<768xf32, #tpu.memory_space<vmem>>, vector<16xf32>,
    %get3A_182 = vector.shape_cast %get3A_181 : vector<16xf32> to vector<16xf32>
    %get3A_183 = arith.constant 736 : index
    %get3A_184 = tpu.vector_load %arg4[%get3A_183] {strides = array<i32>} : memref<768xf32, #tpu.memory_space<vmem>>, vector<16xf32>,
    %get3A_185 = vector.shape_cast %get3A_184 : vector<16xf32> to vector<16xf32>
    %get3A_186 = arith.constant 752 : index
    %get3A_187 = tpu.vector_load %arg4[%get3A_186] {strides = array<i32>} : memref<768xf32, #tpu.memory_space<vmem>>, vector<16xf32>,
    %get3A_188 = vector.shape_cast %get3A_187 : vector<16xf32> to vector<16xf32>
    %broadcast_in_dim3A_189 = arith.constant 0.000000e+00 : f32
    %broadcast_in_dim3A_190 = vector.broadcast %broadcast_in_dim3A_189 : f32 to vector<16xf32>
    %broadcast_in_dim3A_191 = arith.constant 0.000000e+00 : f32
    %broadcast_in_dim3A_192 = vector.broadcast %broadcast_in_dim3A_191 : f32 to vector<16xf32>
    %broadcast_in_dim3A_193 = arith.constant 0.000000e+00 : f32
    %broadcast_in_dim3A_194 = vector.broadcast %broadcast_in_dim3A_193 : f32 to vector<16xf32>
    %broadcast_in_dim3A_195 = arith.constant 0.000000e+00 : f32
    %broadcast_in_dim3A_196 = vector.broadcast %broadcast_in_dim3A_195 : f32 to vector<16xf32>
    %scan3A_197 = arith.constant 0 : i32
    %scan3A_198 = arith.constant 50 : i32
    %scan3A_199 = arith.addi %scan3A_197, %scan3A_198 : i32
    %scan3A_200 = arith.constant 1 : i32
    %scan3A_201:32 = scf.for %scan3A_237 = %scan3A_197 to %scan3A_199 step %scan3A_200 iter_args(%scan3A_238 = %get3A_119, %scan3A_239 = %get3A_122, %scan3A_240 = %get3A_125, %scan3A_241 = %get3A_128, %scan3A_242 = %get3A_131, %scan3A_243 = %get3A_134, %scan3A_244 = %get3A_137, %scan3A_245 = %get3A_140, %scan3A_246 = %get3A_143, %scan3A_247 = %get3A_146, %scan3A_248 = %get3A_149, %scan3A_249 = %get3A_152, %scan3A_250 = %get3A_155, %scan3A_251 = %get3A_158, %scan3A_252 = %get3A_161, %scan3A_253 = %get3A_164, %scan3A_254 = %get3A_167, %scan3A_255 = %get3A_170, %scan3A_256 = %get3A_173, %scan3A_257 = %get3A_176, %scan3A_258 = %get3A_179, %scan3A_259 = %get3A_182, %scan3A_260 = %get3A_185, %scan3A_261 = %get3A_188, %scan3A_262 = %broadcast_in_dim3A_190, %scan3A_263 = %broadcast_in_dim3A_192, %scan3A_264 = %broadcast_in_dim3A_194, %scan3A_265 = %broadcast_in_dim3A_196, %scan3A_266 = %broadcast_in_dim3A_190, %scan3A_267 = %broadcast_in_dim3A_192, %scan3A_268 = %broadcast_in_dim3A_194, %scan3A_269 = %broadcast_in_dim3A_196) -> (vector<16xf32>, vector<16xf32>, vector<16xf32>, vector<16xf32>, vector<16xf32>, vector<16xf32>, vector<16xf32>, vector<16xf32>, vector<16xf32>, vector<16xf32>, vector<16xf32>, vector<16xf32>, vector<16xf32>, vector<16xf32>, vector<16xf32>, vector<16xf32>, vector<16xf32>, vector<16xf32>, vector<16xf32>, vector<16xf32>, vector<16xf32>, vector<16xf32>, vector<16xf32>, vector<16xf32>, vector<16xf32>, vector<16xf32>, vector<16xf32>, vector<16xf32>, vector<16xf32>, vector<16xf32>, vector<16xf32>, vector<16xf32>)  : i32 {
      %add3A_270 = arith.constant 16 : i32
      %add3A_271 = vector.broadcast %add3A_270 : i32 to vector<16xi32>
      %add3A_272 = arith.addi %iota3A, %add3A_271 : vector<16xi32>
      %ge3A = arith.cmpf oge, %scan3A_239, %scan3A_238 : vector<16xf32>
      %select_n3A = arith.select %ge3A, %scan3A_239, %scan3A_238 : vector<16xi1>, vector<16xf32>
      %select_n3A_273 = arith.select %ge3A, %add3A_272, %iota3A : vector<16xi1>, vector<16xi32>
      %add3A_274 = arith.constant 32 : i32
      %add3A_275 = vector.broadcast %add3A_274 : i32 to vector<16xi32>
      %add3A_276 = arith.addi %iota3A, %add3A_275 : vector<16xi32>
      %ge3A_277 = arith.cmpf oge, %scan3A_240, %select_n3A : vector<16xf32>
      %select_n3A_278 = arith.select %ge3A_277, %scan3A_240, %select_n3A : vector<16xi1>, vector<16xf32>
      %select_n3A_279 = arith.select %ge3A_277, %add3A_276, %select_n3A_273 : vector<16xi1>, vector<16xi32>
      %add3A_280 = arith.constant 48 : i32
      %add3A_281 = vector.broadcast %add3A_280 : i32 to vector<16xi32>
      %add3A_282 = arith.addi %iota3A, %add3A_281 : vector<16xi32>
      %ge3A_283 = arith.cmpf oge, %scan3A_241, %select_n3A_278 : vector<16xf32>
      %select_n3A_284 = arith.select %ge3A_283, %scan3A_241, %select_n3A_278 : vector<16xi1>, vector<16xf32>
      %select_n3A_285 = arith.select %ge3A_283, %add3A_282, %select_n3A_279 : vector<16xi1>, vector<16xi32>
      %add3A_286 = arith.constant 64 : i32
      %add3A_287 = vector.broadcast %add3A_286 : i32 to vector<16xi32>
      %add3A_288 = arith.addi %iota3A, %add3A_287 : vector<16xi32>
      %ge3A_289 = arith.cmpf oge, %scan3A_242, %select_n3A_284 : vector<16xf32>
      %select_n3A_290 = arith.select %ge3A_289, %scan3A_242, %select_n3A_284 : vector<16xi1>, vector<16xf32>
      %select_n3A_291 = arith.select %ge3A_289, %add3A_288, %select_n3A_285 : vector<16xi1>, vector<16xi32>
      %add3A_292 = arith.constant 80 : i32
      %add3A_293 = vector.broadcast %add3A_292 : i32 to vector<16xi32>
      %add3A_294 = arith.addi %iota3A, %add3A_293 : vector<16xi32>
      %ge3A_295 = arith.cmpf oge, %scan3A_243, %select_n3A_290 : vector<16xf32>
      %select_n3A_296 = arith.select %ge3A_295, %scan3A_243, %select_n3A_290 : vector<16xi1>, vector<16xf32>
      %select_n3A_297 = arith.select %ge3A_295, %add3A_294, %select_n3A_291 : vector<16xi1>, vector<16xi32>
      %add3A_298 = arith.constant 96 : i32
      %add3A_299 = vector.broadcast %add3A_298 : i32 to vector<16xi32>
      %add3A_300 = arith.addi %iota3A, %add3A_299 : vector<16xi32>
      %ge3A_301 = arith.cmpf oge, %scan3A_244, %select_n3A_296 : vector<16xf32>
      %select_n3A_302 = arith.select %ge3A_301, %scan3A_244, %select_n3A_296 : vector<16xi1>, vector<16xf32>
      %select_n3A_303 = arith.select %ge3A_301, %add3A_300, %select_n3A_297 : vector<16xi1>, vector<16xi32>
      %add3A_304 = arith.constant 112 : i32
      %add3A_305 = vector.broadcast %add3A_304 : i32 to vector<16xi32>
      %add3A_306 = arith.addi %iota3A, %add3A_305 : vector<16xi32>
      %ge3A_307 = arith.cmpf oge, %scan3A_245, %select_n3A_302 : vector<16xf32>
      %select_n3A_308 = arith.select %ge3A_307, %scan3A_245, %select_n3A_302 : vector<16xi1>, vector<16xf32>
      %select_n3A_309 = arith.select %ge3A_307, %add3A_306, %select_n3A_303 : vector<16xi1>, vector<16xi32>
      %add3A_310 = arith.constant 128 : i32
      %add3A_311 = vector.broadcast %add3A_310 : i32 to vector<16xi32>
      %add3A_312 = arith.addi %iota3A, %add3A_311 : vector<16xi32>
      %ge3A_313 = arith.cmpf oge, %scan3A_246, %select_n3A_308 : vector<16xf32>
      %select_n3A_314 = arith.select %ge3A_313, %scan3A_246, %select_n3A_308 : vector<16xi1>, vector<16xf32>
      %select_n3A_315 = arith.select %ge3A_313, %add3A_312, %select_n3A_309 : vector<16xi1>, vector<16xi32>
      %add3A_316 = arith.constant 144 : i32
      %add3A_317 = vector.broadcast %add3A_316 : i32 to vector<16xi32>
      %add3A_318 = arith.addi %iota3A, %add3A_317 : vector<16xi32>
      %ge3A_319 = arith.cmpf oge, %scan3A_247, %select_n3A_314 : vector<16xf32>
      %select_n3A_320 = arith.select %ge3A_319, %scan3A_247, %select_n3A_314 : vector<16xi1>, vector<16xf32>
      %select_n3A_321 = arith.select %ge3A_319, %add3A_318, %select_n3A_315 : vector<16xi1>, vector<16xi32>
      %add3A_322 = arith.constant 160 : i32
      %add3A_323 = vector.broadcast %add3A_322 : i32 to vector<16xi32>
      %add3A_324 = arith.addi %iota3A, %add3A_323 : vector<16xi32>
      %ge3A_325 = arith.cmpf oge, %scan3A_248, %select_n3A_320 : vector<16xf32>
      %select_n3A_326 = arith.select %ge3A_325, %scan3A_248, %select_n3A_320 : vector<16xi1>, vector<16xf32>
      %select_n3A_327 = arith.select %ge3A_325, %add3A_324, %select_n3A_321 : vector<16xi1>, vector<16xi32>
      %add3A_328 = arith.constant 176 : i32
      %add3A_329 = vector.broadcast %add3A_328 : i32 to vector<16xi32>
      %add3A_330 = arith.addi %iota3A, %add3A_329 : vector<16xi32>
      %ge3A_331 = arith.cmpf oge, %scan3A_249, %select_n3A_326 : vector<16xf32>
      %select_n3A_332 = arith.select %ge3A_331, %scan3A_249, %select_n3A_326 : vector<16xi1>, vector<16xf32>
      %select_n3A_333 = arith.select %ge3A_331, %add3A_330, %select_n3A_327 : vector<16xi1>, vector<16xi32>
      %swap3A_334 = arith.constant 0 : index
      %swap3A_335 = tpu.vector_load %arg6[%swap3A_334] {strides = array<i32>} : memref<64xf32, #tpu.memory_space<vmem>>, vector<16xf32>,
      %swap3A_336 = vector.shape_cast %swap3A_335 : vector<16xf32> to vector<16xf32>
      %swap3A_337 = vector.shape_cast %select_n3A_332 : vector<16xf32> to vector<16xf32>
      tpu.vector_store %arg6[%swap3A_334], %swap3A_337 {strides = array<i32>} : memref<64xf32, #tpu.memory_space<vmem>>, vector<16xf32>,
      %swap3A_338 = arith.constant 16 : index
      %swap3A_339 = tpu.vector_load %arg6[%swap3A_338] {strides = array<i32>} : memref<64xf32, #tpu.memory_space<vmem>>, vector<16xf32>,
      %swap3A_340 = vector.shape_cast %swap3A_339 : vector<16xf32> to vector<16xf32>
      %swap3A_341 = vector.shape_cast %select_n3A_332 : vector<16xf32> to vector<16xf32>
      tpu.vector_store %arg6[%swap3A_338], %swap3A_341 {strides = array<i32>} : memref<64xf32, #tpu.memory_space<vmem>>, vector<16xf32>,
      %swap3A_342 = arith.constant 0 : index
      %swap3A_343 = tpu.vector_load %arg7[%swap3A_342] {strides = array<i32>} : memref<64xi32, #tpu.memory_space<vmem>>, vector<16xi32>,
      %swap3A_344 = vector.shape_cast %swap3A_343 : vector<16xi32> to vector<16xi32>
      %swap3A_345 = vector.shape_cast %select_n3A_333 : vector<16xi32> to vector<16xi32>
      tpu.vector_store %arg7[%swap3A_342], %swap3A_345 {strides = array<i32>} : memref<64xi32, #tpu.memory_space<vmem>>, vector<16xi32>,
      %swap3A_346 = arith.constant 16 : index
      %swap3A_347 = tpu.vector_load %arg7[%swap3A_346] {strides = array<i32>} : memref<64xi32, #tpu.memory_space<vmem>>, vector<16xi32>,
      %swap3A_348 = vector.shape_cast %swap3A_347 : vector<16xi32> to vector<16xi32>
      %swap3A_349 = vector.shape_cast %select_n3A_333 : vector<16xi32> to vector<16xi32>
      tpu.vector_store %arg7[%swap3A_346], %swap3A_349 {strides = array<i32>} : memref<64xi32, #tpu.memory_space<vmem>>, vector<16xi32>,
      %get3A_350 = arith.constant 8 : index
      %get3A_351 = tpu.vector_load %arg6[%get3A_350] {strides = array<i32>} : memref<64xf32, #tpu.memory_space<vmem>>, vector<16xf32>,
      %get3A_352 = vector.shape_cast %get3A_351 : vector<16xf32> to vector<16xf32>
      %get3A_353 = arith.constant 8 : index
      %get3A_354 = tpu.vector_load %arg7[%get3A_353] {strides = array<i32>} : memref<64xi32, #tpu.memory_space<vmem>>, vector<16xi32>,
      %get3A_355 = vector.shape_cast %get3A_354 : vector<16xi32> to vector<16xi32>
      %gt3A = arith.cmpf ogt, %get3A_352, %select_n3A_332 : vector<16xf32>
      %eq3A = arith.cmpf oeq, %get3A_352, %select_n3A_332 : vector<16xf32>
      %gt3A_356 = arith.cmpi sgt, %get3A_355, %select_n3A_333 : vector<16xi32>
      %and3A = arith.andi %eq3A, %gt3A_356 : vector<16xi1>
      %or3A = arith.ori %gt3A, %and3A : vector<16xi1>
      %select_n3A_357 = arith.select %or3A, %get3A_352, %select_n3A_332 : vector<16xi1>, vector<16xf32>
      %select_n3A_358 = arith.select %or3A, %get3A_355, %select_n3A_333 : vector<16xi1>, vector<16xi32>
      %swap3A_359 = arith.constant 0 : index
      %swap3A_360 = tpu.vector_load %arg6[%swap3A_359] {strides = array<i32>} : memref<64xf32, #tpu.memory_space<vmem>>, vector<16xf32>,
      %swap3A_361 = vector.shape_cast %swap3A_360 : vector<16xf32> to vector<16xf32>
      %swap3A_362 = vector.shape_cast %select_n3A_357 : vector<16xf32> to vector<16xf32>
      tpu.vector_store %arg6[%swap3A_359], %swap3A_362 {strides = array<i32>} : memref<64xf32, #tpu.memory_space<vmem>>, vector<16xf32>,
      %swap3A_363 = arith.constant 16 : index
      %swap3A_364 = tpu.vector_load %arg6[%swap3A_363] {strides = array<i32>} : memref<64xf32, #tpu.memory_space<vmem>>, vector<16xf32>,
      %swap3A_365 = vector.shape_cast %swap3A_364 : vector<16xf32> to vector<16xf32>
      %swap3A_366 = vector.shape_cast %select_n3A_357 : vector<16xf32> to vector<16xf32>
      tpu.vector_store %arg6[%swap3A_363], %swap3A_366 {strides = array<i32>} : memref<64xf32, #tpu.memory_space<vmem>>, vector<16xf32>,
      %swap3A_367 = arith.constant 0 : index
      %swap3A_368 = tpu.vector_load %arg7[%swap3A_367] {strides = array<i32>} : memref<64xi32, #tpu.memory_space<vmem>>, vector<16xi32>,
      %swap3A_369 = vector.shape_cast %swap3A_368 : vector<16xi32> to vector<16xi32>
      %swap3A_370 = vector.shape_cast %select_n3A_358 : vector<16xi32> to vector<16xi32>
      tpu.vector_store %arg7[%swap3A_367], %swap3A_370 {strides = array<i32>} : memref<64xi32, #tpu.memory_space<vmem>>, vector<16xi32>,
      %swap3A_371 = arith.constant 16 : index
      %swap3A_372 = tpu.vector_load %arg7[%swap3A_371] {strides = array<i32>} : memref<64xi32, #tpu.memory_space<vmem>>, vector<16xi32>,
      %swap3A_373 = vector.shape_cast %swap3A_372 : vector<16xi32> to vector<16xi32>
      %swap3A_374 = vector.shape_cast %select_n3A_358 : vector<16xi32> to vector<16xi32>
      tpu.vector_store %arg7[%swap3A_371], %swap3A_374 {strides = array<i32>} : memref<64xi32, #tpu.memory_space<vmem>>, vector<16xi32>,
      %get3A_375 = arith.constant 4 : index
      %get3A_376 = tpu.vector_load %arg6[%get3A_375] {strides = array<i32>} : memref<64xf32, #tpu.memory_space<vmem>>, vector<16xf32>,
      %get3A_377 = vector.shape_cast %get3A_376 : vector<16xf32> to vector<16xf32>
      %get3A_378 = arith.constant 4 : index
      %get3A_379 = tpu.vector_load %arg7[%get3A_378] {strides = array<i32>} : memref<64xi32, #tpu.memory_space<vmem>>, vector<16xi32>,
      %get3A_380 = vector.shape_cast %get3A_379 : vector<16xi32> to vector<16xi32>
      %gt3A_381 = arith.cmpf ogt, %get3A_377, %select_n3A_357 : vector<16xf32>
      %eq3A_382 = arith.cmpf oeq, %get3A_377, %select_n3A_357 : vector<16xf32>
      %gt3A_383 = arith.cmpi sgt, %get3A_380, %select_n3A_358 : vector<16xi32>
      %and3A_384 = arith.andi %eq3A_382, %gt3A_383 : vector<16xi1>
      %or3A_385 = arith.ori %gt3A_381, %and3A_384 : vector<16xi1>
      %select_n3A_386 = arith.select %or3A_385, %get3A_377, %select_n3A_357 : vector<16xi1>, vector<16xf32>
      %select_n3A_387 = arith.select %or3A_385, %get3A_380, %select_n3A_358 : vector<16xi1>, vector<16xi32>
      %swap3A_388 = arith.constant 0 : index
      %swap3A_389 = tpu.vector_load %arg6[%swap3A_388] {strides = array<i32>} : memref<64xf32, #tpu.memory_space<vmem>>, vector<16xf32>,
      %swap3A_390 = vector.shape_cast %swap3A_389 : vector<16xf32> to vector<16xf32>
      %swap3A_391 = vector.shape_cast %select_n3A_386 : vector<16xf32> to vector<16xf32>
      tpu.vector_store %arg6[%swap3A_388], %swap3A_391 {strides = array<i32>} : memref<64xf32, #tpu.memory_space<vmem>>, vector<16xf32>,
      %swap3A_392 = arith.constant 16 : index
      %swap3A_393 = tpu.vector_load %arg6[%swap3A_392] {strides = array<i32>} : memref<64xf32, #tpu.memory_space<vmem>>, vector<16xf32>,
      %swap3A_394 = vector.shape_cast %swap3A_393 : vector<16xf32> to vector<16xf32>
      %swap3A_395 = vector.shape_cast %select_n3A_386 : vector<16xf32> to vector<16xf32>
      tpu.vector_store %arg6[%swap3A_392], %swap3A_395 {strides = array<i32>} : memref<64xf32, #tpu.memory_space<vmem>>, vector<16xf32>,
      %swap3A_396 = arith.constant 0 : index
      %swap3A_397 = tpu.vector_load %arg7[%swap3A_396] {strides = array<i32>} : memref<64xi32, #tpu.memory_space<vmem>>, vector<16xi32>,
      %swap3A_398 = vector.shape_cast %swap3A_397 : vector<16xi32> to vector<16xi32>
      %swap3A_399 = vector.shape_cast %select_n3A_387 : vector<16xi32> to vector<16xi32>
      tpu.vector_store %arg7[%swap3A_396], %swap3A_399 {strides = array<i32>} : memref<64xi32, #tpu.memory_space<vmem>>, vector<16xi32>,
      %swap3A_400 = arith.constant 16 : index
      %swap3A_401 = tpu.vector_load %arg7[%swap3A_400] {strides = array<i32>} : memref<64xi32, #tpu.memory_space<vmem>>, vector<16xi32>,
      %swap3A_402 = vector.shape_cast %swap3A_401 : vector<16xi32> to vector<16xi32>
      %swap3A_403 = vector.shape_cast %select_n3A_387 : vector<16xi32> to vector<16xi32>
      tpu.vector_store %arg7[%swap3A_400], %swap3A_403 {strides = array<i32>} : memref<64xi32, #tpu.memory_space<vmem>>, vector<16xi32>,
      %get3A_404 = arith.constant 2 : index
      %get3A_405 = tpu.vector_load %arg6[%get3A_404] {strides = array<i32>} : memref<64xf32, #tpu.memory_space<vmem>>, vector<16xf32>,
      %get3A_406 = vector.shape_cast %get3A_405 : vector<16xf32> to vector<16xf32>
      %get3A_407 = arith.constant 2 : index
      %get3A_408 = tpu.vector_load %arg7[%get3A_407] {strides = array<i32>} : memref<64xi32, #tpu.memory_space<vmem>>, vector<16xi32>,
      %get3A_409 = vector.shape_cast %get3A_408 : vector<16xi32> to vector<16xi32>
      %gt3A_410 = arith.cmpf ogt, %get3A_406, %select_n3A_386 : vector<16xf32>
      %eq3A_411 = arith.cmpf oeq, %get3A_406, %select_n3A_386 : vector<16xf32>
      %gt3A_412 = arith.cmpi sgt, %get3A_409, %select_n3A_387 : vector<16xi32>
      %and3A_413 = arith.andi %eq3A_411, %gt3A_412 : vector<16xi1>
      %or3A_414 = arith.ori %gt3A_410, %and3A_413 : vector<16xi1>
      %select_n3A_415 = arith.select %or3A_414, %get3A_406, %select_n3A_386 : vector<16xi1>, vector<16xf32>
      %select_n3A_416 = arith.select %or3A_414, %get3A_409, %select_n3A_387 : vector<16xi1>, vector<16xi32>
      %swap3A_417 = arith.constant 0 : index
      %swap3A_418 = tpu.vector_load %arg6[%swap3A_417] {strides = array<i32>} : memref<64xf32, #tpu.memory_space<vmem>>, vector<16xf32>,
      %swap3A_419 = vector.shape_cast %swap3A_418 : vector<16xf32> to vector<16xf32>
      %swap3A_420 = vector.shape_cast %select_n3A_415 : vector<16xf32> to vector<16xf32>
      tpu.vector_store %arg6[%swap3A_417], %swap3A_420 {strides = array<i32>} : memref<64xf32, #tpu.memory_space<vmem>>, vector<16xf32>,
      %swap3A_421 = arith.constant 16 : index
      %swap3A_422 = tpu.vector_load %arg6[%swap3A_421] {strides = array<i32>} : memref<64xf32, #tpu.memory_space<vmem>>, vector<16xf32>,
      %swap3A_423 = vector.shape_cast %swap3A_422 : vector<16xf32> to vector<16xf32>
      %swap3A_424 = vector.shape_cast %select_n3A_415 : vector<16xf32> to vector<16xf32>
      tpu.vector_store %arg6[%swap3A_421], %swap3A_424 {strides = array<i32>} : memref<64xf32, #tpu.memory_space<vmem>>, vector<16xf32>,
      %swap3A_425 = arith.constant 0 : index
      %swap3A_426 = tpu.vector_load %arg7[%swap3A_425] {strides = array<i32>} : memref<64xi32, #tpu.memory_space<vmem>>, vector<16xi32>,
      %swap3A_427 = vector.shape_cast %swap3A_426 : vector<16xi32> to vector<16xi32>
      %swap3A_428 = vector.shape_cast %select_n3A_416 : vector<16xi32> to vector<16xi32>
      tpu.vector_store %arg7[%swap3A_425], %swap3A_428 {strides = array<i32>} : memref<64xi32, #tpu.memory_space<vmem>>, vector<16xi32>,
      %swap3A_429 = arith.constant 16 : index
      %swap3A_430 = tpu.vector_load %arg7[%swap3A_429] {strides = array<i32>} : memref<64xi32, #tpu.memory_space<vmem>>, vector<16xi32>,
      %swap3A_431 = vector.shape_cast %swap3A_430 : vector<16xi32> to vector<16xi32>
      %swap3A_432 = vector.shape_cast %select_n3A_416 : vector<16xi32> to vector<16xi32>
      tpu.vector_store %arg7[%swap3A_429], %swap3A_432 {strides = array<i32>} : memref<64xi32, #tpu.memory_space<vmem>>, vector<16xi32>,
      %get3A_433 = arith.constant 1 : index
      %get3A_434 = tpu.vector_load %arg6[%get3A_433] {strides = array<i32>} : memref<64xf32, #tpu.memory_space<vmem>>, vector<16xf32>,
      %get3A_435 = vector.shape_cast %get3A_434 : vector<16xf32> to vector<16xf32>
      %get3A_436 = arith.constant 1 : index
      %get3A_437 = tpu.vector_load %arg7[%get3A_436] {strides = array<i32>} : memref<64xi32, #tpu.memory_space<vmem>>, vector<16xi32>,
      %get3A_438 = vector.shape_cast %get3A_437 : vector<16xi32> to vector<16xi32>
      %gt3A_439 = arith.cmpf ogt, %get3A_435, %select_n3A_415 : vector<16xf32>
      %eq3A_440 = arith.cmpf oeq, %get3A_435, %select_n3A_415 : vector<16xf32>
      %gt3A_441 = arith.cmpi sgt, %get3A_438, %select_n3A_416 : vector<16xi32>
      %and3A_442 = arith.andi %eq3A_440, %gt3A_441 : vector<16xi1>
      %or3A_443 = arith.ori %gt3A_439, %and3A_442 : vector<16xi1>
      %select_n3A_444 = arith.select %or3A_443, %get3A_435, %select_n3A_415 : vector<16xi1>, vector<16xf32>
      %select_n3A_445 = arith.select %or3A_443, %get3A_438, %select_n3A_416 : vector<16xi1>, vector<16xi32>
      %add3A_446 = arith.constant 16 : i32
      %add3A_447 = vector.broadcast %add3A_446 : i32 to vector<16xi32>
      %add3A_448 = arith.addi %iota3A, %add3A_447 : vector<16xi32>
      %ge3A_449 = arith.cmpf oge, %scan3A_251, %scan3A_250 : vector<16xf32>
      %select_n3A_450 = arith.select %ge3A_449, %scan3A_251, %scan3A_250 : vector<16xi1>, vector<16xf32>
      %select_n3A_451 = arith.select %ge3A_449, %add3A_448, %iota3A : vector<16xi1>, vector<16xi32>
      %add3A_452 = arith.constant 32 : i32
      %add3A_453 = vector.broadcast %add3A_452 : i32 to vector<16xi32>
      %add3A_454 = arith.addi %iota3A, %add3A_453 : vector<16xi32>
      %ge3A_455 = arith.cmpf oge, %scan3A_252, %select_n3A_450 : vector<16xf32>
      %select_n3A_456 = arith.select %ge3A_455, %scan3A_252, %select_n3A_450 : vector<16xi1>, vector<16xf32>
      %select_n3A_457 = arith.select %ge3A_455, %add3A_454, %select_n3A_451 : vector<16xi1>, vector<16xi32>
      %add3A_458 = arith.constant 48 : i32
      %add3A_459 = vector.broadcast %add3A_458 : i32 to vector<16xi32>
      %add3A_460 = arith.addi %iota3A, %add3A_459 : vector<16xi32>
      %ge3A_461 = arith.cmpf oge, %scan3A_253, %select_n3A_456 : vector<16xf32>
      %select_n3A_462 = arith.select %ge3A_461, %scan3A_253, %select_n3A_456 : vector<16xi1>, vector<16xf32>
      %select_n3A_463 = arith.select %ge3A_461, %add3A_460, %select_n3A_457 : vector<16xi1>, vector<16xi32>
      %add3A_464 = arith.constant 64 : i32
      %add3A_465 = vector.broadcast %add3A_464 : i32 to vector<16xi32>
      %add3A_466 = arith.addi %iota3A, %add3A_465 : vector<16xi32>
      %ge3A_467 = arith.cmpf oge, %scan3A_254, %select_n3A_462 : vector<16xf32>
      %select_n3A_468 = arith.select %ge3A_467, %scan3A_254, %select_n3A_462 : vector<16xi1>, vector<16xf32>
      %select_n3A_469 = arith.select %ge3A_467, %add3A_466, %select_n3A_463 : vector<16xi1>, vector<16xi32>
      %add3A_470 = arith.constant 80 : i32
      %add3A_471 = vector.broadcast %add3A_470 : i32 to vector<16xi32>
      %add3A_472 = arith.addi %iota3A, %add3A_471 : vector<16xi32>
      %ge3A_473 = arith.cmpf oge, %scan3A_255, %select_n3A_468 : vector<16xf32>
      %select_n3A_474 = arith.select %ge3A_473, %scan3A_255, %select_n3A_468 : vector<16xi1>, vector<16xf32>
      %select_n3A_475 = arith.select %ge3A_473, %add3A_472, %select_n3A_469 : vector<16xi1>, vector<16xi32>
      %add3A_476 = arith.constant 96 : i32
      %add3A_477 = vector.broadcast %add3A_476 : i32 to vector<16xi32>
      %add3A_478 = arith.addi %iota3A, %add3A_477 : vector<16xi32>
      %ge3A_479 = arith.cmpf oge, %scan3A_256, %select_n3A_474 : vector<16xf32>
      %select_n3A_480 = arith.select %ge3A_479, %scan3A_256, %select_n3A_474 : vector<16xi1>, vector<16xf32>
      %select_n3A_481 = arith.select %ge3A_479, %add3A_478, %select_n3A_475 : vector<16xi1>, vector<16xi32>
      %add3A_482 = arith.constant 112 : i32
      %add3A_483 = vector.broadcast %add3A_482 : i32 to vector<16xi32>
      %add3A_484 = arith.addi %iota3A, %add3A_483 : vector<16xi32>
      %ge3A_485 = arith.cmpf oge, %scan3A_257, %select_n3A_480 : vector<16xf32>
      %select_n3A_486 = arith.select %ge3A_485, %scan3A_257, %select_n3A_480 : vector<16xi1>, vector<16xf32>
      %select_n3A_487 = arith.select %ge3A_485, %add3A_484, %select_n3A_481 : vector<16xi1>, vector<16xi32>
      %add3A_488 = arith.constant 128 : i32
      %add3A_489 = vector.broadcast %add3A_488 : i32 to vector<16xi32>
      %add3A_490 = arith.addi %iota3A, %add3A_489 : vector<16xi32>
      %ge3A_491 = arith.cmpf oge, %scan3A_258, %select_n3A_486 : vector<16xf32>
      %select_n3A_492 = arith.select %ge3A_491, %scan3A_258, %select_n3A_486 : vector<16xi1>, vector<16xf32>
      %select_n3A_493 = arith.select %ge3A_491, %add3A_490, %select_n3A_487 : vector<16xi1>, vector<16xi32>
      %add3A_494 = arith.constant 144 : i32
      %add3A_495 = vector.broadcast %add3A_494 : i32 to vector<16xi32>
      %add3A_496 = arith.addi %iota3A, %add3A_495 : vector<16xi32>
      %ge3A_497 = arith.cmpf oge, %scan3A_259, %select_n3A_492 : vector<16xf32>
      %select_n3A_498 = arith.select %ge3A_497, %scan3A_259, %select_n3A_492 : vector<16xi1>, vector<16xf32>
      %select_n3A_499 = arith.select %ge3A_497, %add3A_496, %select_n3A_493 : vector<16xi1>, vector<16xi32>
      %add3A_500 = arith.constant 160 : i32
      %add3A_501 = vector.broadcast %add3A_500 : i32 to vector<16xi32>
      %add3A_502 = arith.addi %iota3A, %add3A_501 : vector<16xi32>
      %ge3A_503 = arith.cmpf oge, %scan3A_260, %select_n3A_498 : vector<16xf32>
      %select_n3A_504 = arith.select %ge3A_503, %scan3A_260, %select_n3A_498 : vector<16xi1>, vector<16xf32>
      %select_n3A_505 = arith.select %ge3A_503, %add3A_502, %select_n3A_499 : vector<16xi1>, vector<16xi32>
      %add3A_506 = arith.constant 176 : i32
      %add3A_507 = vector.broadcast %add3A_506 : i32 to vector<16xi32>
      %add3A_508 = arith.addi %iota3A, %add3A_507 : vector<16xi32>
      %ge3A_509 = arith.cmpf oge, %scan3A_261, %select_n3A_504 : vector<16xf32>
      %select_n3A_510 = arith.select %ge3A_509, %scan3A_261, %select_n3A_504 : vector<16xi1>, vector<16xf32>
      %select_n3A_511 = arith.select %ge3A_509, %add3A_508, %select_n3A_505 : vector<16xi1>, vector<16xi32>
      %swap3A_512 = arith.constant 32 : index
      %swap3A_513 = tpu.vector_load %arg6[%swap3A_512] {strides = array<i32>} : memref<64xf32, #tpu.memory_space<vmem>>, vector<16xf32>,
      %swap3A_514 = vector.shape_cast %swap3A_513 : vector<16xf32> to vector<16xf32>
      %swap3A_515 = vector.shape_cast %select_n3A_510 : vector<16xf32> to vector<16xf32>
      tpu.vector_store %arg6[%swap3A_512], %swap3A_515 {strides = array<i32>} : memref<64xf32, #tpu.memory_space<vmem>>, vector<16xf32>,
      %swap3A_516 = arith.constant 48 : index
      %swap3A_517 = tpu.vector_load %arg6[%swap3A_516] {strides = array<i32>} : memref<64xf32, #tpu.memory_space<vmem>>, vector<16xf32>,
      %swap3A_518 = vector.shape_cast %swap3A_517 : vector<16xf32> to vector<16xf32>
      %swap3A_519 = vector.shape_cast %select_n3A_510 : vector<16xf32> to vector<16xf32>
      tpu.vector_store %arg6[%swap3A_516], %swap3A_519 {strides = array<i32>} : memref<64xf32, #tpu.memory_space<vmem>>, vector<16xf32>,
      %swap3A_520 = arith.constant 32 : index
      %swap3A_521 = tpu.vector_load %arg7[%swap3A_520] {strides = array<i32>} : memref<64xi32, #tpu.memory_space<vmem>>, vector<16xi32>,
      %swap3A_522 = vector.shape_cast %swap3A_521 : vector<16xi32> to vector<16xi32>
      %swap3A_523 = vector.shape_cast %select_n3A_511 : vector<16xi32> to vector<16xi32>
      tpu.vector_store %arg7[%swap3A_520], %swap3A_523 {strides = array<i32>} : memref<64xi32, #tpu.memory_space<vmem>>, vector<16xi32>,
      %swap3A_524 = arith.constant 48 : index
      %swap3A_525 = tpu.vector_load %arg7[%swap3A_524] {strides = array<i32>} : memref<64xi32, #tpu.memory_space<vmem>>, vector<16xi32>,
      %swap3A_526 = vector.shape_cast %swap3A_525 : vector<16xi32> to vector<16xi32>
      %swap3A_527 = vector.shape_cast %select_n3A_511 : vector<16xi32> to vector<16xi32>
      tpu.vector_store %arg7[%swap3A_524], %swap3A_527 {strides = array<i32>} : memref<64xi32, #tpu.memory_space<vmem>>, vector<16xi32>,
      %get3A_528 = arith.constant 40 : index
      %get3A_529 = tpu.vector_load %arg6[%get3A_528] {strides = array<i32>} : memref<64xf32, #tpu.memory_space<vmem>>, vector<16xf32>,
      %get3A_530 = vector.shape_cast %get3A_529 : vector<16xf32> to vector<16xf32>
      %get3A_531 = arith.constant 40 : index
      %get3A_532 = tpu.vector_load %arg7[%get3A_531] {strides = array<i32>} : memref<64xi32, #tpu.memory_space<vmem>>, vector<16xi32>,
      %get3A_533 = vector.shape_cast %get3A_532 : vector<16xi32> to vector<16xi32>
      %gt3A_534 = arith.cmpf ogt, %get3A_530, %select_n3A_510 : vector<16xf32>
      %eq3A_535 = arith.cmpf oeq, %get3A_530, %select_n3A_510 : vector<16xf32>
      %gt3A_536 = arith.cmpi sgt, %get3A_533, %select_n3A_511 : vector<16xi32>
      %and3A_537 = arith.andi %eq3A_535, %gt3A_536 : vector<16xi1>
      %or3A_538 = arith.ori %gt3A_534, %and3A_537 : vector<16xi1>
      %select_n3A_539 = arith.select %or3A_538, %get3A_530, %select_n3A_510 : vector<16xi1>, vector<16xf32>
      %select_n3A_540 = arith.select %or3A_538, %get3A_533, %select_n3A_511 : vector<16xi1>, vector<16xi32>
      %swap3A_541 = arith.constant 32 : index
      %swap3A_542 = tpu.vector_load %arg6[%swap3A_541] {strides = array<i32>} : memref<64xf32, #tpu.memory_space<vmem>>, vector<16xf32>,
      %swap3A_543 = vector.shape_cast %swap3A_542 : vector<16xf32> to vector<16xf32>
      %swap3A_544 = vector.shape_cast %select_n3A_539 : vector<16xf32> to vector<16xf32>
      tpu.vector_store %arg6[%swap3A_541], %swap3A_544 {strides = array<i32>} : memref<64xf32, #tpu.memory_space<vmem>>, vector<16xf32>,
      %swap3A_545 = arith.constant 48 : index
      %swap3A_546 = tpu.vector_load %arg6[%swap3A_545] {strides = array<i32>} : memref<64xf32, #tpu.memory_space<vmem>>, vector<16xf32>,
      %swap3A_547 = vector.shape_cast %swap3A_546 : vector<16xf32> to vector<16xf32>
      %swap3A_548 = vector.shape_cast %select_n3A_539 : vector<16xf32> to vector<16xf32>
      tpu.vector_store %arg6[%swap3A_545], %swap3A_548 {strides = array<i32>} : memref<64xf32, #tpu.memory_space<vmem>>, vector<16xf32>,
      %swap3A_549 = arith.constant 32 : index
      %swap3A_550 = tpu.vector_load %arg7[%swap3A_549] {strides = array<i32>} : memref<64xi32, #tpu.memory_space<vmem>>, vector<16xi32>,
      %swap3A_551 = vector.shape_cast %swap3A_550 : vector<16xi32> to vector<16xi32>
      %swap3A_552 = vector.shape_cast %select_n3A_540 : vector<16xi32> to vector<16xi32>
      tpu.vector_store %arg7[%swap3A_549], %swap3A_552 {strides = array<i32>} : memref<64xi32, #tpu.memory_space<vmem>>, vector<16xi32>,
      %swap3A_553 = arith.constant 48 : index
      %swap3A_554 = tpu.vector_load %arg7[%swap3A_553] {strides = array<i32>} : memref<64xi32, #tpu.memory_space<vmem>>, vector<16xi32>,
      %swap3A_555 = vector.shape_cast %swap3A_554 : vector<16xi32> to vector<16xi32>
      %swap3A_556 = vector.shape_cast %select_n3A_540 : vector<16xi32> to vector<16xi32>
      tpu.vector_store %arg7[%swap3A_553], %swap3A_556 {strides = array<i32>} : memref<64xi32, #tpu.memory_space<vmem>>, vector<16xi32>,
      %get3A_557 = arith.constant 36 : index
      %get3A_558 = tpu.vector_load %arg6[%get3A_557] {strides = array<i32>} : memref<64xf32, #tpu.memory_space<vmem>>, vector<16xf32>,
      %get3A_559 = vector.shape_cast %get3A_558 : vector<16xf32> to vector<16xf32>
      %get3A_560 = arith.constant 36 : index
      %get3A_561 = tpu.vector_load %arg7[%get3A_560] {strides = array<i32>} : memref<64xi32, #tpu.memory_space<vmem>>, vector<16xi32>,
      %get3A_562 = vector.shape_cast %get3A_561 : vector<16xi32> to vector<16xi32>
      %gt3A_563 = arith.cmpf ogt, %get3A_559, %select_n3A_539 : vector<16xf32>
      %eq3A_564 = arith.cmpf oeq, %get3A_559, %select_n3A_539 : vector<16xf32>
      %gt3A_565 = arith.cmpi sgt, %get3A_562, %select_n3A_540 : vector<16xi32>
      %and3A_566 = arith.andi %eq3A_564, %gt3A_565 : vector<16xi1>
      %or3A_567 = arith.ori %gt3A_563, %and3A_566 : vector<16xi1>
      %select_n3A_568 = arith.select %or3A_567, %get3A_559, %select_n3A_539 : vector<16xi1>, vector<16xf32>
      %select_n3A_569 = arith.select %or3A_567, %get3A_562, %select_n3A_540 : vector<16xi1>, vector<16xi32>
      %swap3A_570 = arith.constant 32 : index
      %swap3A_571 = tpu.vector_load %arg6[%swap3A_570] {strides = array<i32>} : memref<64xf32, #tpu.memory_space<vmem>>, vector<16xf32>,
      %swap3A_572 = vector.shape_cast %swap3A_571 : vector<16xf32> to vector<16xf32>
      %swap3A_573 = vector.shape_cast %select_n3A_568 : vector<16xf32> to vector<16xf32>
      tpu.vector_store %arg6[%swap3A_570], %swap3A_573 {strides = array<i32>} : memref<64xf32, #tpu.memory_space<vmem>>, vector<16xf32>,
      %swap3A_574 = arith.constant 48 : index
      %swap3A_575 = tpu.vector_load %arg6[%swap3A_574] {strides = array<i32>} : memref<64xf32, #tpu.memory_space<vmem>>, vector<16xf32>,
      %swap3A_576 = vector.shape_cast %swap3A_575 : vector<16xf32> to vector<16xf32>
      %swap3A_577 = vector.shape_cast %select_n3A_568 : vector<16xf32> to vector<16xf32>
      tpu.vector_store %arg6[%swap3A_574], %swap3A_577 {strides = array<i32>} : memref<64xf32, #tpu.memory_space<vmem>>, vector<16xf32>,
      %swap3A_578 = arith.constant 32 : index
      %swap3A_579 = tpu.vector_load %arg7[%swap3A_578] {strides = array<i32>} : memref<64xi32, #tpu.memory_space<vmem>>, vector<16xi32>,
      %swap3A_580 = vector.shape_cast %swap3A_579 : vector<16xi32> to vector<16xi32>
      %swap3A_581 = vector.shape_cast %select_n3A_569 : vector<16xi32> to vector<16xi32>
      tpu.vector_store %arg7[%swap3A_578], %swap3A_581 {strides = array<i32>} : memref<64xi32, #tpu.memory_space<vmem>>, vector<16xi32>,
      %swap3A_582 = arith.constant 48 : index
      %swap3A_583 = tpu.vector_load %arg7[%swap3A_582] {strides = array<i32>} : memref<64xi32, #tpu.memory_space<vmem>>, vector<16xi32>,
      %swap3A_584 = vector.shape_cast %swap3A_583 : vector<16xi32> to vector<16xi32>
      %swap3A_585 = vector.shape_cast %select_n3A_569 : vector<16xi32> to vector<16xi32>
      tpu.vector_store %arg7[%swap3A_582], %swap3A_585 {strides = array<i32>} : memref<64xi32, #tpu.memory_space<vmem>>, vector<16xi32>,
      %get3A_586 = arith.constant 34 : index
      %get3A_587 = tpu.vector_load %arg6[%get3A_586] {strides = array<i32>} : memref<64xf32, #tpu.memory_space<vmem>>, vector<16xf32>,
      %get3A_588 = vector.shape_cast %get3A_587 : vector<16xf32> to vector<16xf32>
      %get3A_589 = arith.constant 34 : index
      %get3A_590 = tpu.vector_load %arg7[%get3A_589] {strides = array<i32>} : memref<64xi32, #tpu.memory_space<vmem>>, vector<16xi32>,
      %get3A_591 = vector.shape_cast %get3A_590 : vector<16xi32> to vector<16xi32>
      %gt3A_592 = arith.cmpf ogt, %get3A_588, %select_n3A_568 : vector<16xf32>
      %eq3A_593 = arith.cmpf oeq, %get3A_588, %select_n3A_568 : vector<16xf32>
      %gt3A_594 = arith.cmpi sgt, %get3A_591, %select_n3A_569 : vector<16xi32>
      %and3A_595 = arith.andi %eq3A_593, %gt3A_594 : vector<16xi1>
      %or3A_596 = arith.ori %gt3A_592, %and3A_595 : vector<16xi1>
      %select_n3A_597 = arith.select %or3A_596, %get3A_588, %select_n3A_568 : vector<16xi1>, vector<16xf32>
      %select_n3A_598 = arith.select %or3A_596, %get3A_591, %select_n3A_569 : vector<16xi1>, vector<16xi32>
      %swap3A_599 = arith.constant 32 : index
      %swap3A_600 = tpu.vector_load %arg6[%swap3A_599] {strides = array<i32>} : memref<64xf32, #tpu.memory_space<vmem>>, vector<16xf32>,
      %swap3A_601 = vector.shape_cast %swap3A_600 : vector<16xf32> to vector<16xf32>
      %swap3A_602 = vector.shape_cast %select_n3A_597 : vector<16xf32> to vector<16xf32>
      tpu.vector_store %arg6[%swap3A_599], %swap3A_602 {strides = array<i32>} : memref<64xf32, #tpu.memory_space<vmem>>, vector<16xf32>,
      %swap3A_603 = arith.constant 48 : index
      %swap3A_604 = tpu.vector_load %arg6[%swap3A_603] {strides = array<i32>} : memref<64xf32, #tpu.memory_space<vmem>>, vector<16xf32>,
      %swap3A_605 = vector.shape_cast %swap3A_604 : vector<16xf32> to vector<16xf32>
      %swap3A_606 = vector.shape_cast %select_n3A_597 : vector<16xf32> to vector<16xf32>
      tpu.vector_store %arg6[%swap3A_603], %swap3A_606 {strides = array<i32>} : memref<64xf32, #tpu.memory_space<vmem>>, vector<16xf32>,
      %swap3A_607 = arith.constant 32 : index
      %swap3A_608 = tpu.vector_load %arg7[%swap3A_607] {strides = array<i32>} : memref<64xi32, #tpu.memory_space<vmem>>, vector<16xi32>,
      %swap3A_609 = vector.shape_cast %swap3A_608 : vector<16xi32> to vector<16xi32>
      %swap3A_610 = vector.shape_cast %select_n3A_598 : vector<16xi32> to vector<16xi32>
      tpu.vector_store %arg7[%swap3A_607], %swap3A_610 {strides = array<i32>} : memref<64xi32, #tpu.memory_space<vmem>>, vector<16xi32>,
      %swap3A_611 = arith.constant 48 : index
      %swap3A_612 = tpu.vector_load %arg7[%swap3A_611] {strides = array<i32>} : memref<64xi32, #tpu.memory_space<vmem>>, vector<16xi32>,
      %swap3A_613 = vector.shape_cast %swap3A_612 : vector<16xi32> to vector<16xi32>
      %swap3A_614 = vector.shape_cast %select_n3A_598 : vector<16xi32> to vector<16xi32>
      tpu.vector_store %arg7[%swap3A_611], %swap3A_614 {strides = array<i32>} : memref<64xi32, #tpu.memory_space<vmem>>, vector<16xi32>,
      %get3A_615 = arith.constant 33 : index
      %get3A_616 = tpu.vector_load %arg6[%get3A_615] {strides = array<i32>} : memref<64xf32, #tpu.memory_space<vmem>>, vector<16xf32>,
      %get3A_617 = vector.shape_cast %get3A_616 : vector<16xf32> to vector<16xf32>
      %get3A_618 = arith.constant 33 : index
      %get3A_619 = tpu.vector_load %arg7[%get3A_618] {strides = array<i32>} : memref<64xi32, #tpu.memory_space<vmem>>, vector<16xi32>,
      %get3A_620 = vector.shape_cast %get3A_619 : vector<16xi32> to vector<16xi32>
      %gt3A_621 = arith.cmpf ogt, %get3A_617, %select_n3A_597 : vector<16xf32>
      %eq3A_622 = arith.cmpf oeq, %get3A_617, %select_n3A_597 : vector<16xf32>
      %gt3A_623 = arith.cmpi sgt, %get3A_620, %select_n3A_598 : vector<16xi32>
      %and3A_624 = arith.andi %eq3A_622, %gt3A_623 : vector<16xi1>
      %or3A_625 = arith.ori %gt3A_621, %and3A_624 : vector<16xi1>
      %select_n3A_626 = arith.select %or3A_625, %get3A_617, %select_n3A_597 : vector<16xi1>, vector<16xf32>
      %select_n3A_627 = arith.select %or3A_625, %get3A_620, %select_n3A_598 : vector<16xi1>, vector<16xi32>
      %broadcast_in_dim3A_628 = arith.constant 49 : i32
      %broadcast_in_dim3A_629 = vector.broadcast %broadcast_in_dim3A_628 : i32 to vector<16xi32>
      %sub3A = vector.broadcast %scan3A_237 : i32 to vector<16xi32>
      %sub3A_630 = arith.subi %broadcast_in_dim3A_629, %sub3A : vector<16xi32>
      %add3A_631 = arith.constant 0 : i32
      %add3A_632 = vector.broadcast %add3A_631 : i32 to vector<16xi32>
      %add3A_633 = arith.addi %iota3A, %add3A_632 : vector<16xi32>
      %eq3A_634 = arith.cmpi eq, %add3A_633, %sub3A_630 : vector<16xi32>
      %convert_element_type3A = arith.sitofp %select_n3A_445 : vector<16xi32> to vector<16xf32>
      %select_n3A_635 = arith.select %eq3A_634, %convert_element_type3A, %scan3A_262 : vector<16xi1>, vector<16xf32>
      %add3A_636 = arith.constant 16 : i32
      %add3A_637 = vector.broadcast %add3A_636 : i32 to vector<16xi32>
      %add3A_638 = arith.addi %iota3A, %add3A_637 : vector<16xi32>
      %eq3A_639 = arith.cmpi eq, %add3A_638, %sub3A_630 : vector<16xi32>
      %convert_element_type3A_640 = arith.sitofp %select_n3A_445 : vector<16xi32> to vector<16xf32>
      %select_n3A_641 = arith.select %eq3A_639, %convert_element_type3A_640, %scan3A_263 : vector<16xi1>, vector<16xf32>
      %add3A_642 = arith.constant 32 : i32
      %add3A_643 = vector.broadcast %add3A_642 : i32 to vector<16xi32>
      %add3A_644 = arith.addi %iota3A, %add3A_643 : vector<16xi32>
      %eq3A_645 = arith.cmpi eq, %add3A_644, %sub3A_630 : vector<16xi32>
      %convert_element_type3A_646 = arith.sitofp %select_n3A_445 : vector<16xi32> to vector<16xf32>
      %select_n3A_647 = arith.select %eq3A_645, %convert_element_type3A_646, %scan3A_264 : vector<16xi1>, vector<16xf32>
      %add3A_648 = arith.constant 48 : i32
      %add3A_649 = vector.broadcast %add3A_648 : i32 to vector<16xi32>
      %add3A_650 = arith.addi %iota3A, %add3A_649 : vector<16xi32>
      %eq3A_651 = arith.cmpi eq, %add3A_650, %sub3A_630 : vector<16xi32>
      %convert_element_type3A_652 = arith.sitofp %select_n3A_445 : vector<16xi32> to vector<16xf32>
      %select_n3A_653 = arith.select %eq3A_651, %convert_element_type3A_652, %scan3A_265 : vector<16xi1>, vector<16xf32>
      %add3A_654 = arith.constant 0 : i32
      %add3A_655 = vector.broadcast %add3A_654 : i32 to vector<16xi32>
      %add3A_656 = arith.addi %iota3A, %add3A_655 : vector<16xi32>
      %eq3A_657 = arith.cmpi eq, %add3A_656, %sub3A_630 : vector<16xi32>
      %convert_element_type3A_658 = arith.sitofp %select_n3A_627 : vector<16xi32> to vector<16xf32>
      %select_n3A_659 = arith.select %eq3A_657, %convert_element_type3A_658, %scan3A_266 : vector<16xi1>, vector<16xf32>
      %add3A_660 = arith.constant 16 : i32
      %add3A_661 = vector.broadcast %add3A_660 : i32 to vector<16xi32>
      %add3A_662 = arith.addi %iota3A, %add3A_661 : vector<16xi32>
      %eq3A_663 = arith.cmpi eq, %add3A_662, %sub3A_630 : vector<16xi32>
      %convert_element_type3A_664 = arith.sitofp %select_n3A_627 : vector<16xi32> to vector<16xf32>
      %select_n3A_665 = arith.select %eq3A_663, %convert_element_type3A_664, %scan3A_267 : vector<16xi1>, vector<16xf32>
      %add3A_666 = arith.constant 32 : i32
      %add3A_667 = vector.broadcast %add3A_666 : i32 to vector<16xi32>
      %add3A_668 = arith.addi %iota3A, %add3A_667 : vector<16xi32>
      %eq3A_669 = arith.cmpi eq, %add3A_668, %sub3A_630 : vector<16xi32>
      %convert_element_type3A_670 = arith.sitofp %select_n3A_627 : vector<16xi32> to vector<16xf32>
      %select_n3A_671 = arith.select %eq3A_669, %convert_element_type3A_670, %scan3A_268 : vector<16xi1>, vector<16xf32>
      %add3A_672 = arith.constant 48 : i32
      %add3A_673 = vector.broadcast %add3A_672 : i32 to vector<16xi32>
      %add3A_674 = arith.addi %iota3A, %add3A_673 : vector<16xi32>
      %eq3A_675 = arith.cmpi eq, %add3A_674, %sub3A_630 : vector<16xi32>
      %convert_element_type3A_676 = arith.sitofp %select_n3A_627 : vector<16xi32> to vector<16xf32>
      %select_n3A_677 = arith.select %eq3A_675, %convert_element_type3A_676, %scan3A_269 : vector<16xi1>, vector<16xf32>
      %add3A_678 = arith.constant 0 : i32
      %add3A_679 = vector.broadcast %add3A_678 : i32 to vector<16xi32>
      %add3A_680 = arith.addi %iota3A, %add3A_679 : vector<16xi32>
      %eq3A_681 = arith.cmpi eq, %add3A_680, %select_n3A_445 : vector<16xi32>
      %jit3A = arith.constant -2.000000e+00 : f32
      %broadcast_in_dim3A_682 = vector.broadcast %jit3A : f32 to vector<16xf32>
      %select_n3A_683 = arith.select %eq3A_681, %broadcast_in_dim3A_682, %scan3A_238 : vector<16xi1>, vector<16xf32>
      %add3A_684 = arith.constant 16 : i32
      %add3A_685 = vector.broadcast %add3A_684 : i32 to vector<16xi32>
      %add3A_686 = arith.addi %iota3A, %add3A_685 : vector<16xi32>
      %eq3A_687 = arith.cmpi eq, %add3A_686, %select_n3A_445 : vector<16xi32>
      %jit3A_688 = arith.constant -2.000000e+00 : f32
      %broadcast_in_dim3A_689 = vector.broadcast %jit3A_688 : f32 to vector<16xf32>
      %select_n3A_690 = arith.select %eq3A_687, %broadcast_in_dim3A_689, %scan3A_239 : vector<16xi1>, vector<16xf32>
      %add3A_691 = arith.constant 32 : i32
      %add3A_692 = vector.broadcast %add3A_691 : i32 to vector<16xi32>
      %add3A_693 = arith.addi %iota3A, %add3A_692 : vector<16xi32>
      %eq3A_694 = arith.cmpi eq, %add3A_693, %select_n3A_445 : vector<16xi32>
      %jit3A_695 = arith.constant -2.000000e+00 : f32
      %broadcast_in_dim3A_696 = vector.broadcast %jit3A_695 : f32 to vector<16xf32>
      %select_n3A_697 = arith.select %eq3A_694, %broadcast_in_dim3A_696, %scan3A_240 : vector<16xi1>, vector<16xf32>
      %add3A_698 = arith.constant 48 : i32
      %add3A_699 = vector.broadcast %add3A_698 : i32 to vector<16xi32>
      %add3A_700 = arith.addi %iota3A, %add3A_699 : vector<16xi32>
      %eq3A_701 = arith.cmpi eq, %add3A_700, %select_n3A_445 : vector<16xi32>
      %jit3A_702 = arith.constant -2.000000e+00 : f32
      %broadcast_in_dim3A_703 = vector.broadcast %jit3A_702 : f32 to vector<16xf32>
      %select_n3A_704 = arith.select %eq3A_701, %broadcast_in_dim3A_703, %scan3A_241 : vector<16xi1>, vector<16xf32>
      %add3A_705 = arith.constant 64 : i32
      %add3A_706 = vector.broadcast %add3A_705 : i32 to vector<16xi32>
      %add3A_707 = arith.addi %iota3A, %add3A_706 : vector<16xi32>
      %eq3A_708 = arith.cmpi eq, %add3A_707, %select_n3A_445 : vector<16xi32>
      %jit3A_709 = arith.constant -2.000000e+00 : f32
      %broadcast_in_dim3A_710 = vector.broadcast %jit3A_709 : f32 to vector<16xf32>
      %select_n3A_711 = arith.select %eq3A_708, %broadcast_in_dim3A_710, %scan3A_242 : vector<16xi1>, vector<16xf32>
      %add3A_712 = arith.constant 80 : i32
      %add3A_713 = vector.broadcast %add3A_712 : i32 to vector<16xi32>
      %add3A_714 = arith.addi %iota3A, %add3A_713 : vector<16xi32>
      %eq3A_715 = arith.cmpi eq, %add3A_714, %select_n3A_445 : vector<16xi32>
      %jit3A_716 = arith.constant -2.000000e+00 : f32
      %broadcast_in_dim3A_717 = vector.broadcast %jit3A_716 : f32 to vector<16xf32>
      %select_n3A_718 = arith.select %eq3A_715, %broadcast_in_dim3A_717, %scan3A_243 : vector<16xi1>, vector<16xf32>
      %add3A_719 = arith.constant 96 : i32
      %add3A_720 = vector.broadcast %add3A_719 : i32 to vector<16xi32>
      %add3A_721 = arith.addi %iota3A, %add3A_720 : vector<16xi32>
      %eq3A_722 = arith.cmpi eq, %add3A_721, %select_n3A_445 : vector<16xi32>
      %jit3A_723 = arith.constant -2.000000e+00 : f32
      %broadcast_in_dim3A_724 = vector.broadcast %jit3A_723 : f32 to vector<16xf32>
      %select_n3A_725 = arith.select %eq3A_722, %broadcast_in_dim3A_724, %scan3A_244 : vector<16xi1>, vector<16xf32>
      %add3A_726 = arith.constant 112 : i32
      %add3A_727 = vector.broadcast %add3A_726 : i32 to vector<16xi32>
      %add3A_728 = arith.addi %iota3A, %add3A_727 : vector<16xi32>
      %eq3A_729 = arith.cmpi eq, %add3A_728, %select_n3A_445 : vector<16xi32>
      %jit3A_730 = arith.constant -2.000000e+00 : f32
      %broadcast_in_dim3A_731 = vector.broadcast %jit3A_730 : f32 to vector<16xf32>
      %select_n3A_732 = arith.select %eq3A_729, %broadcast_in_dim3A_731, %scan3A_245 : vector<16xi1>, vector<16xf32>
      %add3A_733 = arith.constant 128 : i32
      %add3A_734 = vector.broadcast %add3A_733 : i32 to vector<16xi32>
      %add3A_735 = arith.addi %iota3A, %add3A_734 : vector<16xi32>
      %eq3A_736 = arith.cmpi eq, %add3A_735, %select_n3A_445 : vector<16xi32>
      %jit3A_737 = arith.constant -2.000000e+00 : f32
      %broadcast_in_dim3A_738 = vector.broadcast %jit3A_737 : f32 to vector<16xf32>
      %select_n3A_739 = arith.select %eq3A_736, %broadcast_in_dim3A_738, %scan3A_246 : vector<16xi1>, vector<16xf32>
      %add3A_740 = arith.constant 144 : i32
      %add3A_741 = vector.broadcast %add3A_740 : i32 to vector<16xi32>
      %add3A_742 = arith.addi %iota3A, %add3A_741 : vector<16xi32>
      %eq3A_743 = arith.cmpi eq, %add3A_742, %select_n3A_445 : vector<16xi32>
      %jit3A_744 = arith.constant -2.000000e+00 : f32
      %broadcast_in_dim3A_745 = vector.broadcast %jit3A_744 : f32 to vector<16xf32>
      %select_n3A_746 = arith.select %eq3A_743, %broadcast_in_dim3A_745, %scan3A_247 : vector<16xi1>, vector<16xf32>
      %add3A_747 = arith.constant 160 : i32
      %add3A_748 = vector.broadcast %add3A_747 : i32 to vector<16xi32>
      %add3A_749 = arith.addi %iota3A, %add3A_748 : vector<16xi32>
      %eq3A_750 = arith.cmpi eq, %add3A_749, %select_n3A_445 : vector<16xi32>
      %jit3A_751 = arith.constant -2.000000e+00 : f32
      %broadcast_in_dim3A_752 = vector.broadcast %jit3A_751 : f32 to vector<16xf32>
      %select_n3A_753 = arith.select %eq3A_750, %broadcast_in_dim3A_752, %scan3A_248 : vector<16xi1>, vector<16xf32>
      %add3A_754 = arith.constant 176 : i32
      %add3A_755 = vector.broadcast %add3A_754 : i32 to vector<16xi32>
      %add3A_756 = arith.addi %iota3A, %add3A_755 : vector<16xi32>
      %eq3A_757 = arith.cmpi eq, %add3A_756, %select_n3A_445 : vector<16xi32>
      %jit3A_758 = arith.constant -2.000000e+00 : f32
      %broadcast_in_dim3A_759 = vector.broadcast %jit3A_758 : f32 to vector<16xf32>
      %select_n3A_760 = arith.select %eq3A_757, %broadcast_in_dim3A_759, %scan3A_249 : vector<16xi1>, vector<16xf32>
      %add3A_761 = arith.constant 0 : i32
      %add3A_762 = vector.broadcast %add3A_761 : i32 to vector<16xi32>
      %add3A_763 = arith.addi %iota3A, %add3A_762 : vector<16xi32>
      %eq3A_764 = arith.cmpi eq, %add3A_763, %select_n3A_627 : vector<16xi32>
      %jit3A_765 = arith.constant -2.000000e+00 : f32
      %broadcast_in_dim3A_766 = vector.broadcast %jit3A_765 : f32 to vector<16xf32>
      %select_n3A_767 = arith.select %eq3A_764, %broadcast_in_dim3A_766, %scan3A_250 : vector<16xi1>, vector<16xf32>
      %add3A_768 = arith.constant 16 : i32
      %add3A_769 = vector.broadcast %add3A_768 : i32 to vector<16xi32>
      %add3A_770 = arith.addi %iota3A, %add3A_769 : vector<16xi32>
      %eq3A_771 = arith.cmpi eq, %add3A_770, %select_n3A_627 : vector<16xi32>
      %jit3A_772 = arith.constant -2.000000e+00 : f32
      %broadcast_in_dim3A_773 = vector.broadcast %jit3A_772 : f32 to vector<16xf32>
      %select_n3A_774 = arith.select %eq3A_771, %broadcast_in_dim3A_773, %scan3A_251 : vector<16xi1>, vector<16xf32>
      %add3A_775 = arith.constant 32 : i32
      %add3A_776 = vector.broadcast %add3A_775 : i32 to vector<16xi32>
      %add3A_777 = arith.addi %iota3A, %add3A_776 : vector<16xi32>
      %eq3A_778 = arith.cmpi eq, %add3A_777, %select_n3A_627 : vector<16xi32>
      %jit3A_779 = arith.constant -2.000000e+00 : f32
      %broadcast_in_dim3A_780 = vector.broadcast %jit3A_779 : f32 to vector<16xf32>
      %select_n3A_781 = arith.select %eq3A_778, %broadcast_in_dim3A_780, %scan3A_252 : vector<16xi1>, vector<16xf32>
      %add3A_782 = arith.constant 48 : i32
      %add3A_783 = vector.broadcast %add3A_782 : i32 to vector<16xi32>
      %add3A_784 = arith.addi %iota3A, %add3A_783 : vector<16xi32>
      %eq3A_785 = arith.cmpi eq, %add3A_784, %select_n3A_627 : vector<16xi32>
      %jit3A_786 = arith.constant -2.000000e+00 : f32
      %broadcast_in_dim3A_787 = vector.broadcast %jit3A_786 : f32 to vector<16xf32>
      %select_n3A_788 = arith.select %eq3A_785, %broadcast_in_dim3A_787, %scan3A_253 : vector<16xi1>, vector<16xf32>
      %add3A_789 = arith.constant 64 : i32
      %add3A_790 = vector.broadcast %add3A_789 : i32 to vector<16xi32>
      %add3A_791 = arith.addi %iota3A, %add3A_790 : vector<16xi32>
      %eq3A_792 = arith.cmpi eq, %add3A_791, %select_n3A_627 : vector<16xi32>
      %jit3A_793 = arith.constant -2.000000e+00 : f32
      %broadcast_in_dim3A_794 = vector.broadcast %jit3A_793 : f32 to vector<16xf32>
      %select_n3A_795 = arith.select %eq3A_792, %broadcast_in_dim3A_794, %scan3A_254 : vector<16xi1>, vector<16xf32>
      %add3A_796 = arith.constant 80 : i32
      %add3A_797 = vector.broadcast %add3A_796 : i32 to vector<16xi32>
      %add3A_798 = arith.addi %iota3A, %add3A_797 : vector<16xi32>
      %eq3A_799 = arith.cmpi eq, %add3A_798, %select_n3A_627 : vector<16xi32>
      %jit3A_800 = arith.constant -2.000000e+00 : f32
      %broadcast_in_dim3A_801 = vector.broadcast %jit3A_800 : f32 to vector<16xf32>
      %select_n3A_802 = arith.select %eq3A_799, %broadcast_in_dim3A_801, %scan3A_255 : vector<16xi1>, vector<16xf32>
      %add3A_803 = arith.constant 96 : i32
      %add3A_804 = vector.broadcast %add3A_803 : i32 to vector<16xi32>
      %add3A_805 = arith.addi %iota3A, %add3A_804 : vector<16xi32>
      %eq3A_806 = arith.cmpi eq, %add3A_805, %select_n3A_627 : vector<16xi32>
      %jit3A_807 = arith.constant -2.000000e+00 : f32
      %broadcast_in_dim3A_808 = vector.broadcast %jit3A_807 : f32 to vector<16xf32>
      %select_n3A_809 = arith.select %eq3A_806, %broadcast_in_dim3A_808, %scan3A_256 : vector<16xi1>, vector<16xf32>
      %add3A_810 = arith.constant 112 : i32
      %add3A_811 = vector.broadcast %add3A_810 : i32 to vector<16xi32>
      %add3A_812 = arith.addi %iota3A, %add3A_811 : vector<16xi32>
      %eq3A_813 = arith.cmpi eq, %add3A_812, %select_n3A_627 : vector<16xi32>
      %jit3A_814 = arith.constant -2.000000e+00 : f32
      %broadcast_in_dim3A_815 = vector.broadcast %jit3A_814 : f32 to vector<16xf32>
      %select_n3A_816 = arith.select %eq3A_813, %broadcast_in_dim3A_815, %scan3A_257 : vector<16xi1>, vector<16xf32>
      %add3A_817 = arith.constant 128 : i32
      %add3A_818 = vector.broadcast %add3A_817 : i32 to vector<16xi32>
      %add3A_819 = arith.addi %iota3A, %add3A_818 : vector<16xi32>
      %eq3A_820 = arith.cmpi eq, %add3A_819, %select_n3A_627 : vector<16xi32>
      %jit3A_821 = arith.constant -2.000000e+00 : f32
      %broadcast_in_dim3A_822 = vector.broadcast %jit3A_821 : f32 to vector<16xf32>
      %select_n3A_823 = arith.select %eq3A_820, %broadcast_in_dim3A_822, %scan3A_258 : vector<16xi1>, vector<16xf32>
      %add3A_824 = arith.constant 144 : i32
      %add3A_825 = vector.broadcast %add3A_824 : i32 to vector<16xi32>
      %add3A_826 = arith.addi %iota3A, %add3A_825 : vector<16xi32>
      %eq3A_827 = arith.cmpi eq, %add3A_826, %select_n3A_627 : vector<16xi32>
      %jit3A_828 = arith.constant -2.000000e+00 : f32
      %broadcast_in_dim3A_829 = vector.broadcast %jit3A_828 : f32 to vector<16xf32>
      %select_n3A_830 = arith.select %eq3A_827, %broadcast_in_dim3A_829, %scan3A_259 : vector<16xi1>, vector<16xf32>
      %add3A_831 = arith.constant 160 : i32
      %add3A_832 = vector.broadcast %add3A_831 : i32 to vector<16xi32>
      %add3A_833 = arith.addi %iota3A, %add3A_832 : vector<16xi32>
      %eq3A_834 = arith.cmpi eq, %add3A_833, %select_n3A_627 : vector<16xi32>
      %jit3A_835 = arith.constant -2.000000e+00 : f32
      %broadcast_in_dim3A_836 = vector.broadcast %jit3A_835 : f32 to vector<16xf32>
      %select_n3A_837 = arith.select %eq3A_834, %broadcast_in_dim3A_836, %scan3A_260 : vector<16xi1>, vector<16xf32>
      %add3A_838 = arith.constant 176 : i32
      %add3A_839 = vector.broadcast %add3A_838 : i32 to vector<16xi32>
      %add3A_840 = arith.addi %iota3A, %add3A_839 : vector<16xi32>
      %eq3A_841 = arith.cmpi eq, %add3A_840, %select_n3A_627 : vector<16xi32>
      %jit3A_842 = arith.constant -2.000000e+00 : f32
      %broadcast_in_dim3A_843 = vector.broadcast %jit3A_842 : f32 to vector<16xf32>
      %select_n3A_844 = arith.select %eq3A_841, %broadcast_in_dim3A_843, %scan3A_261 : vector<16xi1>, vector<16xf32>
      scf.yield %select_n3A_683, %select_n3A_690, %select_n3A_697, %select_n3A_704, %select_n3A_711, %select_n3A_718, %select_n3A_725, %select_n3A_732, %select_n3A_739, %select_n3A_746, %select_n3A_753, %select_n3A_760, %select_n3A_767, %select_n3A_774, %select_n3A_781, %select_n3A_788, %select_n3A_795, %select_n3A_802, %select_n3A_809, %select_n3A_816, %select_n3A_823, %select_n3A_830, %select_n3A_837, %select_n3A_844, %select_n3A_635, %select_n3A_641, %select_n3A_647, %select_n3A_653, %select_n3A_659, %select_n3A_665, %select_n3A_671, %select_n3A_677 : vector<16xf32>, vector<16xf32>, vector<16xf32>, vector<16xf32>, vector<16xf32>, vector<16xf32>, vector<16xf32>, vector<16xf32>, vector<16xf32>, vector<16xf32>, vector<16xf32>, vector<16xf32>, vector<16xf32>, vector<16xf32>, vector<16xf32>, vector<16xf32>, vector<16xf32>, vector<16xf32>, vector<16xf32>, vector<16xf32>, vector<16xf32>, vector<16xf32>, vector<16xf32>, vector<16xf32>, vector<16xf32>, vector<16xf32>, vector<16xf32>, vector<16xf32>, vector<16xf32>, vector<16xf32>, vector<16xf32>, vector<16xf32>
    }
    %scan3A_202 = arith.constant 50 : i32
    %swap3A_203 = arith.constant 128 : index
    %swap3A_204 = tpu.vector_load %arg5[%swap3A_203] {strides = array<i32>} : memref<256xf32, #tpu.memory_space<vmem>>, vector<16xf32>,
    %swap3A_205 = vector.shape_cast %swap3A_204 : vector<16xf32> to vector<16xf32>
    %swap3A_206 = vector.shape_cast %scan3A_201#24 : vector<16xf32> to vector<16xf32>
    tpu.vector_store %arg5[%swap3A_203], %swap3A_206 {strides = array<i32>} : memref<256xf32, #tpu.memory_space<vmem>>, vector<16xf32>,
    %swap3A_207 = arith.constant 192 : index
    %swap3A_208 = tpu.vector_load %arg5[%swap3A_207] {strides = array<i32>} : memref<256xf32, #tpu.memory_space<vmem>>, vector<16xf32>,
    %swap3A_209 = vector.shape_cast %swap3A_208 : vector<16xf32> to vector<16xf32>
    %swap3A_210 = vector.shape_cast %scan3A_201#28 : vector<16xf32> to vector<16xf32>
    tpu.vector_store %arg5[%swap3A_207], %swap3A_210 {strides = array<i32>} : memref<256xf32, #tpu.memory_space<vmem>>, vector<16xf32>,
    %swap3A_211 = arith.constant 144 : index
    %swap3A_212 = tpu.vector_load %arg5[%swap3A_211] {strides = array<i32>} : memref<256xf32, #tpu.memory_space<vmem>>, vector<16xf32>,
    %swap3A_213 = vector.shape_cast %swap3A_212 : vector<16xf32> to vector<16xf32>
    %swap3A_214 = vector.shape_cast %scan3A_201#25 : vector<16xf32> to vector<16xf32>
    tpu.vector_store %arg5[%swap3A_211], %swap3A_214 {strides = array<i32>} : memref<256xf32, #tpu.memory_space<vmem>>, vector<16xf32>,
    %swap3A_215 = arith.constant 208 : index
    %swap3A_216 = tpu.vector_load %arg5[%swap3A_215] {strides = array<i32>} : memref<256xf32, #tpu.memory_space<vmem>>, vector<16xf32>,
    %swap3A_217 = vector.shape_cast %swap3A_216 : vector<16xf32> to vector<16xf32>
    %swap3A_218 = vector.shape_cast %scan3A_201#29 : vector<16xf32> to vector<16xf32>
    tpu.vector_store %arg5[%swap3A_215], %swap3A_218 {strides = array<i32>} : memref<256xf32, #tpu.memory_space<vmem>>, vector<16xf32>,
    %swap3A_219 = arith.constant 160 : index
    %swap3A_220 = tpu.vector_load %arg5[%swap3A_219] {strides = array<i32>} : memref<256xf32, #tpu.memory_space<vmem>>, vector<16xf32>,
    %swap3A_221 = vector.shape_cast %swap3A_220 : vector<16xf32> to vector<16xf32>
    %swap3A_222 = vector.shape_cast %scan3A_201#26 : vector<16xf32> to vector<16xf32>
    tpu.vector_store %arg5[%swap3A_219], %swap3A_222 {strides = array<i32>} : memref<256xf32, #tpu.memory_space<vmem>>, vector<16xf32>,
    %swap3A_223 = arith.constant 224 : index
    %swap3A_224 = tpu.vector_load %arg5[%swap3A_223] {strides = array<i32>} : memref<256xf32, #tpu.memory_space<vmem>>, vector<16xf32>,
    %swap3A_225 = vector.shape_cast %swap3A_224 : vector<16xf32> to vector<16xf32>
    %swap3A_226 = vector.shape_cast %scan3A_201#30 : vector<16xf32> to vector<16xf32>
    tpu.vector_store %arg5[%swap3A_223], %swap3A_226 {strides = array<i32>} : memref<256xf32, #tpu.memory_space<vmem>>, vector<16xf32>,
    %swap3A_227 = arith.constant 176 : index
    %swap3A_228 = tpu.vector_load %arg5[%swap3A_227] {strides = array<i32>} : memref<256xf32, #tpu.memory_space<vmem>>, vector<16xf32>,
    %swap3A_229 = vector.shape_cast %swap3A_228 : vector<16xf32> to vector<16xf32>
    %swap3A_230 = vector.shape_cast %scan3A_201#27 : vector<16xf32> to vector<16xf32>
    tpu.vector_store %arg5[%swap3A_227], %swap3A_230 {strides = array<i32>} : memref<256xf32, #tpu.memory_space<vmem>>, vector<16xf32>,
    %swap3A_231 = arith.constant 240 : index
    %swap3A_232 = tpu.vector_load %arg5[%swap3A_231] {strides = array<i32>} : memref<256xf32, #tpu.memory_space<vmem>>, vector<16xf32>,
    %swap3A_233 = vector.shape_cast %swap3A_232 : vector<16xf32> to vector<16xf32>
    %swap3A_234 = vector.shape_cast %scan3A_201#31 : vector<16xf32> to vector<16xf32>
    tpu.vector_store %arg5[%swap3A_231], %swap3A_234 {strides = array<i32>} : memref<256xf32, #tpu.memory_space<vmem>>, vector<16xf32>,
    %mul3A_235 = arith.constant 256 : i32
    %mul3A_236 = arith.muli %add3A, %mul3A_235 : i32
    "tpu.region"() ({
      %run_scoped3A = tpu.sem_alloc : memref<!tpu.dma_semaphore, #tpu.memory_space<semaphore_mem>>
      %dma_start3A = tpu.memref_slice %arg3[%mul3A_236] : memref<8192xf32, #tpu.memory_space<hbm>> -> memref<256xf32, #tpu.memory_space<hbm>>
      %dma_start3A_237 = tpu.memref_slice %arg3[%mul3A_236] : memref<8192xf32, #tpu.memory_space<hbm>> -> memref<256xf32, #tpu.memory_space<hbm>>
      tpu.enqueue_dma source(%arg5 : memref<256xf32, #tpu.memory_space<vmem>>) target(%dma_start3A_237 : memref<256xf32, #tpu.memory_space<hbm>>) target_semaphore(%run_scoped3A : memref<!tpu.dma_semaphore, #tpu.memory_space<semaphore_mem>>)
      %dma_wait3A = tpu.memref_slice %arg3[%mul3A_236] : memref<8192xf32, #tpu.memory_space<hbm>> -> memref<256xf32, #tpu.memory_space<hbm>>
      %dma_wait3A_238 = tpu.memref_slice %arg3[%mul3A_236] : memref<8192xf32, #tpu.memory_space<hbm>> -> memref<256xf32, #tpu.memory_space<hbm>>
      tpu.wait_dma2 semaphore(%run_scoped3A : memref<!tpu.dma_semaphore, #tpu.memory_space<semaphore_mem>>) src(%arg5 : memref<256xf32, #tpu.memory_space<vmem>>) dst(%dma_wait3A_238 : memref<256xf32, #tpu.memory_space<hbm>>)
      tpu.yield
    }) : () -> ()
    return
  }
}

module attributes {stable_mosaic.version = 14 : i64} {
  func.func @_dft_body(%arg0: i32, %arg1: memref<128x4096xf32, #tpu.memory_space<vmem>>, %arg2: memref<4096x360xf32, #tpu.memory_space<vmem>>, %arg3: memref<128x192xf32, #tpu.memory_space<vmem>>, %arg4: memref<128x360xf32, #tpu.memory_space<vmem>>) attributes {dimension_semantics = [#tpu.dimension_semantics<arbitrary>], iteration_bounds = array<i64: 2>, scalar_prefetch = 0 : i64, scratch_operands = 1 : i64, tpu.core_type = #tpu.core_type<tc>, window_params = [{transform_indices = @transform_0, window_bounds = array<i64: 128, 4096>}, {transform_indices = @transform_1, window_bounds = array<i64: 4096, 360>}, {pipeline_mode = #tpu.pipeline_mode<synchronous>, transform_indices = @transform_2, window_bounds = array<i64: 128, 192>}]} {
    %eq3A = arith.constant 0 : i32
    %eq3A_0 = arith.cmpi eq, %arg0, %eq3A : i32
    %convert_element_type3A = arith.extui %eq3A_0 : i1 to i32
    %cond3A = arith.constant 0 : i32
    %cond3A_1 = arith.cmpi ne, %convert_element_type3A, %cond3A : i32
    scf.if %cond3A_1 {
      %broadcast_in_dim3A = arith.constant 0.000000e+00 : f32
      %broadcast_in_dim3A_18 = vector.broadcast %broadcast_in_dim3A : f32 to vector<128x360xf32>
      %swap3A_19 = arith.constant 0 : index
      %swap3A_20 = arith.constant 0 : index
      %swap3A_21 = vector.load %arg4[%swap3A_19, %swap3A_20] : memref<128x360xf32, #tpu.memory_space<vmem>>, vector<128x360xf32>
      tpu.vector_store %arg4[%swap3A_19, %swap3A_20], %broadcast_in_dim3A_18 {strides = array<i32>} : memref<128x360xf32, #tpu.memory_space<vmem>>, vector<128x360xf32>,
    } else {
    }
    %get3A = arith.constant 0 : index
    %get3A_2 = arith.constant 0 : index
    %get3A_3 = vector.load %arg4[%get3A, %get3A_2] : memref<128x360xf32, #tpu.memory_space<vmem>>, vector<128x360xf32>
    %get3A_4 = arith.constant 0 : index
    %get3A_5 = arith.constant 0 : index
    %get3A_6 = vector.load %arg1[%get3A_4, %get3A_5] : memref<128x4096xf32, #tpu.memory_space<vmem>>, vector<128x4096xf32>
    %get3A_7 = arith.constant 0 : index
    %get3A_8 = arith.constant 0 : index
    %get3A_9 = vector.load %arg2[%get3A_7, %get3A_8] : memref<4096x360xf32, #tpu.memory_space<vmem>>, vector<4096x360xf32>
    %dot_general3A = arith.constant dense<0.000000e+00> : vector<128x360xf32>
    %dot_general3A_10 = tpu.matmul %get3A_6, %get3A_9, %dot_general3A {dimension_numbers = #tpu.dot_dimension_numbers<[1], [0], [0], [1], [0, 0, 1, 1], [], []>, precision = #tpu.contract_precision<fp32>, transpose_lhs_hint = false} : vector<128x4096xf32>, vector<4096x360xf32>, vector<128x360xf32> -> vector<128x360xf32>
    %add3A = arith.addf %get3A_3, %dot_general3A_10 : vector<128x360xf32>
    %swap3A = arith.constant 0 : index
    %swap3A_11 = arith.constant 0 : index
    %swap3A_12 = vector.load %arg4[%swap3A, %swap3A_11] : memref<128x360xf32, #tpu.memory_space<vmem>>, vector<128x360xf32>
    tpu.vector_store %arg4[%swap3A, %swap3A_11], %add3A {strides = array<i32>} : memref<128x360xf32, #tpu.memory_space<vmem>>, vector<128x360xf32>,
    %eq3A_13 = arith.constant 1 : i32
    %eq3A_14 = arith.cmpi eq, %arg0, %eq3A_13 : i32
    %convert_element_type3A_15 = arith.extui %eq3A_14 : i1 to i32
    %cond3A_16 = arith.constant 0 : i32
    %cond3A_17 = arith.cmpi ne, %convert_element_type3A_15, %cond3A_16 : i32
    scf.if %cond3A_17 {
      %get3A_18 = arith.constant 0 : index
      %get3A_19 = arith.constant 0 : index
      %get3A_20 = vector.load %arg4[%get3A_18, %get3A_19] : memref<128x360xf32, #tpu.memory_space<vmem>>, vector<128x360xf32>
      %slice3A = vector.extract_strided_slice %get3A_20 {offsets = [0, 0], sizes = [128, 180], strides = [1, 1]} : vector<128x360xf32> to vector<128x180xf32>
      %slice3A_21 = vector.extract_strided_slice %get3A_20 {offsets = [0, 180], sizes = [128, 180], strides = [1, 1]} : vector<128x360xf32> to vector<128x180xf32>
      %mul3A = arith.mulf %slice3A, %slice3A : vector<128x180xf32>
      %mul3A_22 = arith.mulf %slice3A_21, %slice3A_21 : vector<128x180xf32>
      %add3A_23 = arith.addf %mul3A, %mul3A_22 : vector<128x180xf32>
      %iota3A = tpu.iota {dimensions = array<i32: 1>} : vector<128x192xi32>
      %broadcast_in_dim3A = arith.constant -1.000000e+00 : f32
      %broadcast_in_dim3A_24 = vector.broadcast %broadcast_in_dim3A : f32 to vector<128x12xf32>
      %concatenate3A = tpu.concatenate %add3A_23, %broadcast_in_dim3A_24 in 1 : vector<128x180xf32>, vector<128x12xf32> -> vector<128x192xf32>
      %eq3A_25 = arith.constant 0 : i32
      %eq3A_26 = vector.broadcast %eq3A_25 : i32 to vector<128x192xi32>
      %eq3A_27 = arith.cmpi eq, %iota3A, %eq3A_26 : vector<128x192xi32>
      %jit3A = arith.constant -1.000000e+00 : f32
      %broadcast_in_dim3A_28 = vector.broadcast %jit3A : f32 to vector<128x192xf32>
      %select_n3A = arith.select %eq3A_27, %broadcast_in_dim3A_28, %concatenate3A : vector<128x192xi1>, vector<128x192xf32>
      %swap3A_29 = arith.constant 0 : index
      %swap3A_30 = arith.constant 0 : index
      %swap3A_31 = vector.load %arg3[%swap3A_29, %swap3A_30] : memref<128x192xf32, #tpu.memory_space<vmem>>, vector<128x192xf32>
      tpu.vector_store %arg3[%swap3A_29, %swap3A_30], %select_n3A {strides = array<i32>} : memref<128x192xf32, #tpu.memory_space<vmem>>, vector<128x192xf32>,
    } else {
    }
    return
  }
  func.func @transform_0(%arg0: i32) -> (i32, i32) {
    %c0_i32 = arith.constant 0 : i32
    %c0_i32_0 = arith.constant 0 : i32
    return %c0_i32, %arg0 : i32, i32
  }
  func.func @transform_1(%arg0: i32) -> (i32, i32) {
    %c0_i32 = arith.constant 0 : i32
    %c0_i32_0 = arith.constant 0 : i32
    return %arg0, %c0_i32 : i32, i32
  }
  func.func @transform_2(%arg0: i32) -> (i32, i32) {
    %c0_i32 = arith.constant 0 : i32
    %c0_i32_0 = arith.constant 0 : i32
    %c0_i32_1 = arith.constant 0 : i32
    return %c0_i32, %c0_i32_0 : i32, i32
  }
}

module attributes {stable_mosaic.version = 14 : i64} {
  func.func @_linear_body(%arg0: memref<128x64xf32, #tpu.memory_space<vmem>>, %arg1: memref<50x70xf32, #tpu.memory_space<vmem>>, %arg2: memref<1x70xf32, #tpu.memory_space<vmem>>, %arg3: memref<70x90xf32, #tpu.memory_space<vmem>>, %arg4: memref<1x90xf32, #tpu.memory_space<vmem>>, %arg5: memref<128x90xf32, #tpu.memory_space<vmem>>) attributes {dimension_semantics = [], scalar_prefetch = 0 : i64, scratch_operands = 0 : i64, tpu.core_type = #tpu.core_type<tc>} {
    %get3A = arith.constant 0 : index
    %get3A_0 = arith.constant 0 : index
    %get3A_1 = vector.load %arg0[%get3A, %get3A_0] : memref<128x64xf32, #tpu.memory_space<vmem>>, vector<128x64xf32>
    %slice3A = vector.extract_strided_slice %get3A_1 {offsets = [0, 0], sizes = [128, 50], strides = [1, 1]} : vector<128x64xf32> to vector<128x50xf32>
    %get3A_2 = arith.constant 0 : index
    %get3A_3 = arith.constant 0 : index
    %get3A_4 = vector.load %arg1[%get3A_2, %get3A_3] : memref<50x70xf32, #tpu.memory_space<vmem>>, vector<50x70xf32>
    %dot_general3A = arith.constant dense<0.000000e+00> : vector<128x70xf32>
    %dot_general3A_5 = tpu.matmul %slice3A, %get3A_4, %dot_general3A {dimension_numbers = #tpu.dot_dimension_numbers<[1], [0], [0], [1], [0, 0, 1, 1], [], []>, precision = #tpu.contract_precision<fp32>, transpose_lhs_hint = false} : vector<128x50xf32>, vector<50x70xf32>, vector<128x70xf32> -> vector<128x70xf32>
    %get3A_6 = arith.constant 0 : index
    %get3A_7 = arith.constant 0 : index
    %get3A_8 = vector.load %arg2[%get3A_6, %get3A_7] : memref<1x70xf32, #tpu.memory_space<vmem>>, vector<1x70xf32>
    %add3A = vector.broadcast %get3A_8 : vector<1x70xf32> to vector<128x70xf32>
    %add3A_9 = arith.addf %dot_general3A_5, %add3A : vector<128x70xf32>
    %get3A_10 = arith.constant 0 : index
    %get3A_11 = arith.constant 0 : index
    %get3A_12 = vector.load %arg3[%get3A_10, %get3A_11] : memref<70x90xf32, #tpu.memory_space<vmem>>, vector<70x90xf32>
    %dot_general3A_13 = arith.constant dense<0.000000e+00> : vector<128x90xf32>
    %dot_general3A_14 = tpu.matmul %add3A_9, %get3A_12, %dot_general3A_13 {dimension_numbers = #tpu.dot_dimension_numbers<[1], [0], [0], [1], [0, 0, 1, 1], [], []>, precision = #tpu.contract_precision<fp32>, transpose_lhs_hint = false} : vector<128x70xf32>, vector<70x90xf32>, vector<128x90xf32> -> vector<128x90xf32>
    %get3A_15 = arith.constant 0 : index
    %get3A_16 = arith.constant 0 : index
    %get3A_17 = vector.load %arg4[%get3A_15, %get3A_16] : memref<1x90xf32, #tpu.memory_space<vmem>>, vector<1x90xf32>
    %add3A_18 = vector.broadcast %get3A_17 : vector<1x90xf32> to vector<128x90xf32>
    %add3A_19 = arith.addf %dot_general3A_14, %add3A_18 : vector<128x90xf32>
    %swap3A = arith.constant 0 : index
    %swap3A_20 = arith.constant 0 : index
    %swap3A_21 = vector.load %arg5[%swap3A, %swap3A_20] : memref<128x90xf32, #tpu.memory_space<vmem>>, vector<128x90xf32>
    tpu.vector_store %arg5[%swap3A, %swap3A_20], %add3A_19 {strides = array<i32>} : memref<128x90xf32, #tpu.memory_space<vmem>>, vector<128x90xf32>,
    return
  }
}

</mosaic_0001>

<sc_bundles>
// kernel: kernel.5.cloned.1.call-start
scs
__scs_entry_jumppad:
0x0: {  	(pc) =	sbr.rel $0x88, $3  }
0x1: {  	(tag) =	ssettag $0x0;
	lr =	simm.s32 $0x1  }
0x2: {  	[smem:$0x3F9C] =	sst lr;
	_ =	strace $0xD0000000  }
0x3: {  	_ = 	snop  }
0x4: {  	_ = 	snop  }
0x5: {  	_ = 	snop  }
0x6: {  	_ = 	snop  }
0x7: {  	_ = 	snop  }
__scs_overlays_trampoline_lowered:
0x8: {  	[smem:$0x3FAB] =	sst s0  }
0x9: {  	[smem:$0x3FAC] =	sst s1  }
0xa: {  	[smem:$0x3FAD] =	sst s2  }
0xb: {  	[smem:$0x3FAE] =	sst s3  }
0xc: {  	[smem:$0x3FAF] =	sst s4  }
0xd: {  	[smem:$0x3FB0] =	sst s5  }
0xe: {  	[smem:$0x3FB1] =	sst s6  }
0xf: {  	[smem:$0x3FB2] =	sst s7  }
0x10: {  	[smem:$0x3FB3] =	sst s8  }
0x11: {  	[smem:$0x3FB4] =	sst s9;
	s0 =	simm.s32 @!p0 $0x0  }
0x12: {  	s1 =	sld [smem:$0x3F9A];
	s0 =	simm.s32 @p0 $0x1  }
0x13: {  	[smem:$0x3FB5] =	sst s0;
	s0 =	simm.s32 @!p1 $0x0  }
0x14: {  	s2 =	sld [smem:$0x3F99];
	s0 =	simm.s32 @p1 $0x1  }
0x15: {  	[smem:$0x3FB6] =	sst s0;
	s0 =	simm.s32 @!p2 $0x0  }
0x16: {  	s3 =	sld [smem:$0x3FDB];
	s0 =	simm.s32 @p2 $0x1  }
0x17: {  	s4 =	simm.s32 $0x1BF5;
	[smem:$0x3FB8] =	sst s0  }
0x18: {  	s0 =	sld [smem:$0x3F9B];
	_ =	swait.ge [sflag:s4], $0x0  }
0x19: {  	s7 =	sld [smem:$0x3F9C]  }
0x1a: {  	s8 =	sadd.s32 $0xFFFFE003, lr  }
0x1b: {  	s9 =	sadd.s32 $0xFFFFFEF7, lr;
	s5 =	simm.s32 $0xFFFFFFFF;
	p2 =	slt.u32 s8, $0xFFFFF086  }
0x1c: {  	p1 =	slt.u32 s9, $0xF7A;
	s5 =	simm.s32 @!p2 $0x0  }
0x1d: {  	s5 =	simm.s32 @p1 $0x1;
	p0 =	seq.s32 s7, s2  }
0x1e: {  	s7 =	smul.u32 @!p0 $0xF7A, s2;
	p2 =	seq.s32 @!p0 s5, $0x0  }
0x1f: {  	s9 =	smul.u32 $0xF7A, s1;
	s8 =	simm.s32 @!p0 $0x1BF5;
	p2 =	por !p2, p0  }
0x20: {  	[sflag:s8] =	ssyncset.s32 @!p0 $0xFFFFF086;
	s6 =	sadd.s32 @!p0 s3, s7;
	s7 =	simm.s32 @!p0 $0x108  }
0x21: {  	s3 =	sadd.s32 s3, s9;
	s6 =	sadd.s32 @!p0 $0x88, s6;
	s7 =	simm.s32 @p2 $0x1082  }
0x22: {  	[simem:s7], [sflag:s8] =	dma.local @!p0 [hbm:s6], $0xF7A  }
0x23: {  	s9 =	sor.u32 $0xD0000000, s2;
	s6 =	simm.s32 $0x108;
	_ =	swait.ge @!p0 [sflag:s8], $0x0  }
0x24: {  	s3 =	sadd.s32 $0x88, s3;
	s6 =	simm.s32 @!p1 $0x1082;
	[sflag:s4] =	ssyncset.s32 $0xFFFFF086  }
0x25: {  	[simem:s6], [sflag:s4] =	dma.local [hbm:s3], $0xF7A  }
0x26: {  	[smem:$0x3F9C] =	sst s1;
	(tag) =	ssettag s2;
	_ =	strace s9  }
0x27: {  	s1 =	sld [smem:$0x3FAC]  }
0x28: {  	s2 =	sld [smem:$0x3FAD]  }
0x29: {  	s4 =	sld [smem:$0x3FAF]  }
0x2a: {  	p0 =	seq.s32 s5, $0x0;
	s5 =	sld [smem:$0x3FB0]  }
0x2b: {  	s6 =	sld [smem:$0x3FB1]  }
0x2c: {  	s7 =	sld [smem:$0x3FB2]  }
0x2d: {  	s3 =	simm.s32 $0x108;
	s8 =	sld [smem:$0x3FB3]  }
0x2e: {  	s3 =	simm.s32 @!p0 $0x1082;
	s9 =	sld [smem:$0x3FB4]  }
0x2f: {  	lr =	sadd.s32 s0, s3;
	s0 =	sld [smem:$0x3FAB]  }
0x30: {  	s3 =	sld [smem:$0x3FAE]  }
0x31: {  	[smem:$0x3FB7] =	sst s10  }
0x32: {  	s10 =	sld [smem:$0x3FB5];
	_ =	sdelay $0x3  }
0x33: {  	p0 =	seq.s32 s10, $0x1;
	s10 =	sld [smem:$0x3FB7];
	_ =	sdelay $0x3  }
0x34: {  	[smem:$0x3FB7] =	sst s10  }
0x35: {  	s10 =	sld [smem:$0x3FB6];
	_ =	sdelay $0x3  }
0x36: {  	p1 =	seq.s32 s10, $0x1;
	s10 =	sld [smem:$0x3FB7];
	_ =	sdelay $0x3  }
0x37: {  	[smem:$0x3FB7] =	sst s10  }
0x38: {  	s10 =	sld [smem:$0x3FB8]  }
0x39: {  	_ = 	snop;
	(pc) =	sbr.ind lr, $3  }
0x3a: {  	_ = 	snop  }
0x3b: {  	_ = 	snop  }
0x3c: {  	p2 =	seq.s32 s10, $0x1;
	s10 =	sld [smem:$0x3FB7]  }
0x3d: {  	_ =	shalt  }
0x3e: {  	_ =	shalt  }
0x3f: {  	_ =	shalt  }
0x40: {  	_ =	shalt  }
0x41: {  	_ =	shalt  }
0x42: {  	_ =	shalt  }
0x43: {  	_ =	shalt  }
0x44: {  	_ =	shalt  }
0x45: {  	_ =	shalt  }
0x46: {  	_ =	shalt  }
0x47: {  	_ =	shalt  }
0x48: {  	_ =	shalt  }
0x49: {  	_ =	shalt  }
0x4a: {  	_ =	shalt  }
0x4b: {  	_ =	shalt  }
0x4c: {  	_ =	shalt  }
0x4d: {  	_ =	shalt  }
0x4e: {  	_ =	shalt  }
0x4f: {  	_ =	shalt  }
0x50: {  	_ =	shalt  }
0x51: {  	_ =	shalt  }
0x52: {  	_ =	shalt  }
0x53: {  	_ =	shalt  }
0x54: {  	_ =	shalt  }
0x55: {  	_ =	shalt  }
0x56: {  	_ =	shalt  }
0x57: {  	_ =	shalt  }
0x58: {  	_ =	shalt  }
0x59: {  	_ =	shalt  }
0x5a: {  	_ =	shalt  }
0x5b: {  	_ =	shalt  }
0x5c: {  	_ =	shalt  }
0x5d: {  	_ =	shalt  }
0x5e: {  	_ =	shalt  }
0x5f: {  	_ =	shalt  }
0x60: {  	_ =	shalt  }
0x61: {  	_ =	shalt  }
0x62: {  	_ =	shalt  }
0x63: {  	_ =	shalt  }
0x64: {  	_ =	shalt  }
0x65: {  	_ =	shalt  }
0x66: {  	_ =	shalt  }
0x67: {  	_ =	shalt  }
0x68: {  	_ =	shalt  }
0x69: {  	_ =	shalt  }
0x6a: {  	_ =	shalt  }
0x6b: {  	_ =	shalt  }
0x6c: {  	_ =	shalt  }
0x6d: {  	_ =	shalt  }
0x6e: {  	_ =	shalt  }
0x6f: {  	_ =	shalt  }
0x70: {  	_ =	shalt  }
0x71: {  	_ =	shalt  }
0x72: {  	_ =	shalt  }
0x73: {  	_ =	shalt  }
0x74: {  	_ =	shalt  }
0x75: {  	_ =	shalt  }
0x76: {  	_ =	shalt  }
0x77: {  	_ =	shalt  }
0x78: {  	_ =	shalt  }
0x79: {  	_ =	shalt  }
0x7a: {  	_ =	shalt  }
0x7b: {  	_ =	shalt  }
0x7c: {  	_ =	shalt  }
0x7d: {  	_ =	shalt  }
0x7e: {  	_ =	shalt  }
0x7f: {  	_ =	shalt  }
0x80: {  	_ =	shalt  }
0x81: {  	_ =	shalt  }
0x82: {  	_ =	shalt  }
0x83: {  	_ =	shalt  }
0x84: {  	_ =	shalt  }
0x85: {  	_ =	shalt  }
0x86: {  	_ =	shalt  }
0x87: {  	_ =	shalt  }
.Lfunc_end0:
.L_simem_size_0:
called_computation_lowered:
.L_overlay_start_0:
0x88: {  	s2 =	sld [smem:$0x3FD9]  }
0x89: {  	s3 =	sld [smem:$0x3FFE];
	_ =	sdelay $0x1  }
0x8a: {  	s1 =	srdreg.scid  }
0x8b: {  	s0 =	sand.u32 $0x1, s1  }
0x8c: {  	s17 =	sshll.u32 s0, $0xA;
	s2 =	sadd.s32 s3, s2  }
0x8d: {  	s2 =	sadd.s32 s2, s17  }
0x8e: {  	[smem:$0x3FC3] =	sst s2  }
0x8f: {  	_ = 	snop  }
0x90: {  	s2 =	sld [smem:$0x3FD0];
	(tm) =	ssettm $0x1  }
0x91: {  	s18 =	sld [smem:$0x3FFB];
	_ =	sdelay $0x3  }
0x92: {  	_ =	strace s18  }
0x93: {  	s3 =	sld [smem:$0x3FFC];
	_ =	sdelay $0x3  }
0x94: {  	_ =	strace s3  }
0x95: {  	s3 =	sld [smem:$0x3FFD];
	_ =	sdelay $0x3  }
0x96: {  	_ =	strace s3  }
0x97: {  	_ =	strace $0x8FFFFFFF  }
0x98: {  	s19 =	sld [smem:$0x3FDB];
	_ =	sdelay $0x1  }
0x99: {  	s4 =	simm.s32 $_scs_section_size  }
0x9a: {  	s5 =	simm.s32 $_size__tile_overlayer_lowered;
	s6 =	simm.s32 $_tile_overlayer_lowered  }
0x9b: {  	s22 =	simm.s32 $0x1BFF;
	s21 =	sshll.u32 s6, $0x1;
	s3 =	sadd.s32 s4, s19  }
0x9c: {  	s7 =	simm.s32 $0x0;
	s20 =	sshll.u32 s5, $0x1;
	s5 =	sadd.s32 s21, s3  }
0x9d: {  	[timem:s7], [sflag:s22] =	dma.local [hbm:s5], s20  }
0x9e: {  	_ =	swait.ge [sflag:s22], s20  }
0x9f: {  	s4 =	ssub.s32 $0x0, s20;
	[sflag:s22] =	ssyncset.done $0x0  }
0xa0: {  	[sflag:s22] =	ssyncadd.s32 s4;
	_ =	sdelay $0x1  }
0xa1: {  	s23 =	simm.s32 $0x1B8B  }
0xa2: {  	_ =	swait.ge [sflag:s23], $0x1  }
0xa3: {  	[sflag:s23] =	ssyncset.done $0x0  }
0xa4: {  	s25 =	simm.s32 $0x1B8E;
	s24 =	sld [smem:$0x3FFE];
	[sflag:s23] =	ssyncadd.s32 $0xFFFFFFFF  }
0xa5: {  	s26 =	simm.s32 $execute0_lowered;
	[smem:$0x3FD2] =	sst s25  }
0xa6: {  	s5 =	sshll.u32 s26, $0x1;
	_ =	strace $0x80000046;
	[dreg:$0x1] =	wrdreg $0xFFFFFFFF  }
0xa7: {  	s28 =	simm.s32 $_size_execute0_lowered;
	s3 =	sadd.s32 s3, s5;
	[dreg:$0x0] =	wrdreg $0x0  }
0xa8: {  	s5 =	sshll.u32 s28, $0x1;
	[dreg:$0x2] =	wrdreg s3  }
0xa9: {  	[dreg:$0x3] =	wrdreg s5  }
0xaa: {  	[dreg:$0x4] =	wrdreg $0xC0  }
0xab: {  	_ =	task [dreg:s7], $0x5FFFF  }
0xac: {  	[dreg:$0x1] =	wrdreg $0xFFFFFFFF  }
0xad: {  	[dreg:$0x0] =	wrdreg $0x60  }
0xae: {  	[dreg:$0x2] =	wrdreg s24  }
0xaf: {  	[dreg:$0x3] =	wrdreg s2  }
0xb0: {  	[dreg:$0x4] =	wrdreg $0x9  }
0xb1: {  	_ =	task.clear_ibuf [dreg:s7], $0x5FFFF;
	_ =	strace $0x90000046  }
0xb2: {  	s29 =	simm.s32 $0x9;
	_ =	strace $0x80000048  }
0xb3: {  	_ =	swait.ge [sflag:s29], $0x1  }
0xb4: {  	[sflag:s29] =	ssyncadd.s32 $0xFFFFFFFF  }
0xb5: {  	_ =	strace $0x90000048  }
0xb6: {  	_ =	sfence  }
0xb7: {  	s30 =	sld [smem:$0x0];
	_ =	sdelay $0x2  }
0xb8: {  	s31 =	sshll.u32 s1, $0xD;
	s1 =	sshrl.u32 s1, $0x2  }
0xb9: {  	s3 =	sand.u32 $0x4000, s31;
	s1 =	sadd.s32 s1, s30  }
0xba: {  	s0 =	sor.u32 s3, s0;
	s1 =	sshll.u32 s1, $0x11  }
0xbb: {  	s0 =	sor.u32 s1, s0  }
0xbc: {  	s0 =	sadd.s32 $0x8F2B, s0  }
0xbd: {  	[sflag:s0] =	ssyncadd.remote.s32 $0x1  }
0xbe: {  	_ =	sfence.sel $0xFFFF  }
0xbf: {  	[dreg:$0x0] =	wrdreg $0xFFFFFFFF;
	(pc) =	sbr.abs _section_cstart, $3  }
0xc0: {  	[dreg:$0x1] =	wrdreg $0xFFFFFFFF  }
0xc1: {  	_ =	task.clear_ibuf [dreg:s7], $0x2FFFF;
	_ =	strace $0x9FFFFFFF  }
0xc2: {  	(tm) =	ssettm $0x7FFFFFFF  }
0xc3: {  	_ =	shalt  }
tec
execute0_lowered:
.L_overlay_start_1:
0x0: {  	(tag) =	ssettag $0x1  }
0x1: {  	s3 =	rddreg [dreg:$0x0];
	s1 =	srdreg.scid  }
0x2: {  	s0 =	stileid.u32;
	s4 =	rddreg [dreg:$0x1];
	s2 =	simm.s32 $0x0  }
0x3: {  	s5 =	sand.u32 $0x1, s1;
	s6 =	sshll.u32 s0, $0x1;
	s1 =	rddreg [dreg:$0x2]  }
0x4: {  	v0 =	vlaneseq.u32;
	[smem:$0x7FF] =	sst s2;
	s6 =	sor.u32 s5, s6;
	s5 =	ssub.s32 $0x2, s5  }
0x5: {  	v1 =	vor.u32 $0x10, v0;
	v2 =	vor.u32 $0x20, v0;
	s7 =	smul.u32 $0x60, s6;
	s8 =	sshrl.u32 s5, $0x1;
	s6 =	sshll.u32 s6, $0x5  }
0x6: {  	v3 =	vor.u32 $0x30, v0;
	v4 =	vor.u32 $0x40, v0;
	v5 =	vor.u32 $0x50, v0;
	_ =	strace $0x80000047;
	s5 =	ssub.s32 s5, s8;
	s4 =	sadd.s32 s4, s6  }
0x7: {  	v6 =	vor.u32 $0x60, v0;
	v7 =	vor.u32 $0x70, v0;
	v8 =	vor.u32 $0x80, v0;
	s6 =	simm.s32 $0x1;
	s8 =	simm.s32 $0x0;
	s3 =	sadd.s32 s7, s3  }
0x8: {  	v9 =	vor.u32 $0x90, v0;
	v10 =	vor.u32 $0xA0, v0;
	v11 =	vor.u32 $0xB0, v0;
	s5 =	smax.u32 s5, $0x1;
	s7 =	simm.s32 $0x300;
	s3 =	sadd.s32 $0xE00, s3  }
.LBB2_1:
0x9: {  	[tilespmem:s2], [sflag:$0x1] =	stream.linear.gather [hbm4b:s3+s2], $0x300, $0x38;
	[tilespmem:$0x500] =	vst v63  }
0xa: {  	_ =	swait.ge [sflag:s6], $0x300  }
0xb: {  	[sflag:s6] =	ssyncset.done $0x0  }
0xc: {  	[sflag:s6] =	ssyncadd.s32 $0xFFFFFD00  }
0xd: {  	v13 =	vld [tilespmem:$0x0]  }
0xe: {  	v14 =	vld [tilespmem:$0x10]  }
0xf: {  	v15 =	vld [tilespmem:$0x20]  }
0x10: {  	v16 =	vld [tilespmem:$0x30]  }
0x11: {  	v19 =	vld [tilespmem:$0x40]  }
0x12: {  	v20 =	vld [tilespmem:$0x50]  }
0x13: {  	v21 =	vld [tilespmem:$0x60]  }
0x14: {  	v22 =	vld [tilespmem:$0x70]  }
0x15: {  	v23 =	vld [tilespmem:$0x80]  }
0x16: {  	v24 =	vld [tilespmem:$0x90]  }
0x17: {  	v26 =	vld [tilespmem:$0xA0]  }
0x18: {  	v27 =	vld [tilespmem:$0xB0]  }
0x19: {  	v29 =	vld [tilespmem:$0xC0]  }
0x1a: {  	v30 =	vld [tilespmem:$0xD0]  }
0x1b: {  	v31 =	vld [tilespmem:$0xE0]  }
0x1c: {  	v33 =	vld [tilespmem:$0xF0]  }
0x1d: {  	v36 =	vld [tilespmem:$0x100]  }
0x1e: {  	v37 =	vld [tilespmem:$0x110]  }
0x1f: {  	v38 =	vld [tilespmem:$0x120]  }
0x20: {  	v39 =	vld [tilespmem:$0x130]  }
0x21: {  	v40 =	vld [tilespmem:$0x140]  }
0x22: {  	v12 =	vimm.f32 $0.0e+00;
	v17 =	vimm.f32 $0.0e+00;
	v41 =	vld [tilespmem:$0x150]  }
0x23: {  	v25 =	vimm.f32 $0.0e+00;
	v32 =	vimm.f32 $0.0e+00;
	v18 =	vimm.f32 $0.0e+00;
	v42 =	vld [tilespmem:$0x160]  }
0x24: {  	v28 =	vimm.f32 $0.0e+00;
	v34 =	vimm.f32 $0.0e+00;
	v35 =	vimm.f32 $0.0e+00;
	s9 =	simm.s32 $0x0;
	v43 =	vld [tilespmem:$0x170]  }
.LBB2_2:
0x25: {  	vm2 =	vge.f32 v14, v13  }
0x26: {  	v44 =	vsel vm2, v14, v13  }
0x27: {  	vm3 =	vge.f32 v15, v44  }
0x28: {  	v44 =	vsel vm3, v15, v44  }
0x29: {  	vm0 =	vge.f32 v30, v29;
	vm4 =	vge.f32 v16, v44  }
0x2a: {  	v45 =	vsel vm0, v30, v29;
	v44 =	vsel vm4, v16, v44  }
0x2b: {  	vm1 =	vge.f32 v31, v45;
	vm5 =	vge.f32 v19, v44  }
0x2c: {  	v45 =	vsel vm1, v31, v45;
	v44 =	vsel vm5, v19, v44  }
0x2d: {  	v46 =	vsel vm2, v1, v0;
	vm7 =	vge.f32 v33, v45;
	vm6 =	vge.f32 v20, v44  }
0x2e: {  	v47 =	vsel vm0, v1, v0;
	v45 =	vsel vm7, v33, v45;
	v44 =	vsel vm6, v20, v44  }
0x2f: {  	v46 =	vsel vm3, v2, v46;
	vm3 =	vge.f32 v36, v45;
	vm14 =	vge.f32 v21, v44  }
0x30: {  	v46 =	vsel vm4, v3, v46;
	v45 =	vsel vm3, v36, v45;
	v44 =	vsel vm14, v21, v44  }
0x31: {  	v46 =	vsel vm5, v4, v46;
	vm5 =	vge.f32 v37, v45;
	vm15 =	vge.f32 v22, v44  }
0x32: {  	v47 =	vsel vm1, v2, v47;
	v45 =	vsel vm5, v37, v45;
	v44 =	vsel vm15, v22, v44  }
0x33: {  	v47 =	vsel vm7, v3, v47;
	vm10 =	vge.f32 v38, v45;
	vm9 =	vge.f32 v23, v44  }
0x34: {  	v47 =	vsel vm3, v4, v47;
	v45 =	vsel vm10, v38, v45;
	v44 =	vsel vm9, v23, v44  }
0x35: {  	v46 =	vsel vm6, v5, v46;
	vm12 =	vge.f32 v39, v45;
	vm11 =	vge.f32 v24, v44  }
0x36: {  	v47 =	vsel vm5, v5, v47;
	v45 =	vsel vm12, v39, v45;
	v44 =	vsel vm11, v24, v44  }
0x37: {  	v46 =	vsel vm14, v6, v46;
	vm14 =	vge.f32 v40, v45;
	vm13 =	vge.f32 v26, v44  }
0x38: {  	v46 =	vsel vm15, v7, v46;
	v45 =	vsel vm14, v40, v45;
	v44 =	vsel vm13, v26, v44  }
0x39: {  	v46 =	vsel vm9, v8, v46;
	vm8 =	vge.f32 v41, v45;
	vm15 =	vge.f32 v27, v44  }
0x3a: {  	v46 =	vsel vm11, v9, v46;
	v45 =	vsel vm8, v41, v45;
	v44 =	vsel vm15, v27, v44  }
0x3b: {  	v47 =	vsel vm10, v6, v47;
	vm9 =	vge.f32 v42, v45;
	v46 =	vsel vm13, v10, v46;
	[tilespmem:$0x400] =	vst v44  }
0x3c: {  	v47 =	vsel vm12, v7, v47;
	v45 =	vsel vm9, v42, v45;
	v46 =	vsel vm15, v11, v46;
	[tilespmem:$0x410] =	vst v44  }
0x3d: {  	v47 =	vsel vm14, v8, v47;
	vm10 =	vge.f32 v43, v45;
	[tilespmem:$0x480] =	vst v46  }
0x3e: {  	v47 =	vsel vm8, v9, v47;
	v45 =	vsel vm10, v43, v45;
	[tilespmem:$0x490] =	vst v46;
	v48 =	vld [tilespmem:$0x408]  }
0x3f: {  	v47 =	vsel vm9, v10, v47;
	[tilespmem:$0x420] =	vst v45;
	v49 =	vld [tilespmem:$0x488]  }
0x40: {  	v47 =	vsel vm10, v11, v47;
	[tilespmem:$0x430] =	vst v45  }
0x41: {  	[tilespmem:$0x4A0] =	vst v47  }
0x42: {  	[tilespmem:$0x4B0] =	vst v47;
	v50 =	vld [tilespmem:$0x428]  }
0x43: {  	v51 =	vld [tilespmem:$0x4A8]  }
0x44: {  	vm11 =	veq.f32 v48, v44;
	vm12 =	vgt.s32 v49, v46  }
0x45: {  	vm13 =	vgt.f32 v48, v44;
	vm0 =	vmand vm11, vm12  }
0x46: {  	vm0 =	vmor vm13, vm0  }
0x47: {  	v44 =	vsel vm0, v48, v44  }
0x48: {  	vm14 =	veq.f32 v50, v45;
	vm15 =	vgt.s32 v51, v47;
	[tilespmem:$0x400] =	vst v44  }
0x49: {  	vm4 =	vgt.f32 v50, v45;
	vm1 =	vmand vm14, vm15;
	v46 =	vsel vm0, v49, v46;
	[tilespmem:$0x410] =	vst v44  }
0x4a: {  	vm0 =	vmor vm4, vm1;
	[tilespmem:$0x480] =	vst v46  }
0x4b: {  	[tilespmem:$0x490] =	vst v46;
	v45 =	vsel vm0, v50, v45;
	v59 =	vld [tilespmem:$0x404]  }
0x4c: {  	v60 =	vld [tilespmem:$0x484];
	[tilespmem:$0x420] =	vst v45  }
0x4d: {  	v47 =	vsel vm0, v51, v47;
	[tilespmem:$0x430] =	vst v45  }
0x4e: {  	[tilespmem:$0x4A0] =	vst v47  }
0x4f: {  	[tilespmem:$0x4B0] =	vst v47;
	v61 =	vld [tilespmem:$0x424]  }
0x50: {  	v62 =	vld [tilespmem:$0x4A4]  }
0x51: {  	vm5 =	veq.f32 v59, v44;
	vm6 =	vgt.s32 v60, v46  }
0x52: {  	vm7 =	vgt.f32 v59, v44;
	vm0 =	vmand vm5, vm6  }
0x53: {  	vm0 =	vmor vm7, vm0  }
0x54: {  	v44 =	vsel vm0, v59, v44  }
0x55: {  	vm8 =	veq.f32 v61, v45;
	vm9 =	vgt.s32 v62, v47;
	[tilespmem:$0x400] =	vst v44  }
0x56: {  	vm10 =	vgt.f32 v61, v45;
	vm1 =	vmand vm8, vm9;
	v46 =	vsel vm0, v60, v46;
	[tilespmem:$0x410] =	vst v44  }
0x57: {  	vm0 =	vmor vm10, vm1;
	[tilespmem:$0x480] =	vst v46  }
0x58: {  	[tilespmem:$0x490] =	vst v46;
	v45 =	vsel vm0, v61, v45;
	v63 =	vld [tilespmem:$0x402]  }
0x59: {  	v54 =	vld [tilespmem:$0x482];
	[tilespmem:$0x420] =	vst v45  }
0x5a: {  	v47 =	vsel vm0, v62, v47;
	[tilespmem:$0x430] =	vst v45  }
0x5b: {  	[tilespmem:$0x4A0] =	vst v47  }
0x5c: {  	[tilespmem:$0x4B0] =	vst v47;
	v55 =	vld [tilespmem:$0x422]  }
0x5d: {  	v56 =	vld [tilespmem:$0x4A2]  }
0x5e: {  	vm11 =	veq.f32 v63, v44;
	vm12 =	vgt.s32 v54, v46  }
0x5f: {  	vm13 =	vgt.f32 v63, v44;
	vm0 =	vmand vm11, vm12  }
0x60: {  	vm0 =	vmor vm13, vm0  }
0x61: {  	v44 =	vsel vm0, v63, v44  }
0x62: {  	vm14 =	veq.f32 v55, v45;
	vm15 =	vgt.s32 v56, v47;
	[tilespmem:$0x400] =	vst v44  }
0x63: {  	vm4 =	vgt.f32 v55, v45;
	vm1 =	vmand vm14, vm15;
	v46 =	vsel vm0, v54, v46;
	[tilespmem:$0x410] =	vst v44  }
0x64: {  	vm0 =	vmor vm4, vm1;
	[tilespmem:$0x480] =	vst v46  }
0x65: {  	[tilespmem:$0x490] =	vst v46;
	v45 =	vsel vm0, v55, v45  }
0x66: {  	[tilespmem:$0x420] =	vst v45  }
0x67: {  	v47 =	vsel vm0, v56, v47;
	v57 =	vld [tilespmem:$0x401];
	[tilespmem:$0x430] =	vst v45  }
0x68: {  	v58 =	vld [tilespmem:$0x481];
	[tilespmem:$0x4A0] =	vst v47  }
0x69: {  	[tilespmem:$0x4B0] =	vst v47;
	v59 =	vld [tilespmem:$0x421]  }
0x6a: {  	v60 =	vld [tilespmem:$0x4A1];
	_ =	sdelay $0x2  }
0x6b: {  	v61 =	vmov s9;
	vm5 =	veq.f32 v57, v44;
	vm6 =	vgt.s32 v58, v46  }
0x6c: {  	vm7 =	vgt.f32 v57, v44;
	v44 =	vsub.s32 $0x31, v61;
	vm0 =	vmand vm5, vm6  }
0x6d: {  	vm8 =	vgt.f32 v59, v45;
	vm9 =	veq.f32 v59, v45;
	vm10 =	vgt.s32 v60, v47  }
0x6e: {  	v44 =	vbroadcast v44, $0x0;
	vm0 =	vmor vm7, vm0;
	vm11 =	vmand vm9, vm10  }
0x6f: {  	v62 =	vsel vm0, v58, v46;
	vm0 =	vmor vm8, vm11  }
0x70: {  	vm12 =	veq.s32 v44, v0;
	vm13 =	veq.s32 v44, v1;
	vm14 =	veq.s32 v44, v2  }
0x71: {  	vm15 =	veq.s32 v44, v3;
	v46 =	vcvt.s32.f32 v62;
	v47 =	vsel vm0, v60, v47  }
0x72: {  	vm4 =	veq.s32 v62, v0;
	vm5 =	veq.s32 v62, v1;
	vm6 =	veq.s32 v62, v2  }
0x73: {  	vm7 =	veq.s32 v62, v3;
	vm8 =	veq.s32 v62, v4;
	vm9 =	veq.s32 v62, v5  }
0x74: {  	vm10 =	veq.s32 v62, v6;
	vm11 =	veq.s32 v62, v7;
	v63 =	vcvt.s32.f32 v47  }
0x75: {  	v13 =	vsel vm4, $0xC0000000, v13;
	v14 =	vsel vm5, $0xC0000000, v14;
	v15 =	vsel vm6, $0xC0000000, v15  }
0x76: {  	v16 =	vsel vm7, $0xC0000000, v16;
	v19 =	vsel vm8, $0xC0000000, v19;
	v20 =	vsel vm9, $0xC0000000, v20  }
0x77: {  	v21 =	vsel vm10, $0xC0000000, v21;
	v22 =	vsel vm11, $0xC0000000, v22;
	vm4 =	veq.s32 v47, v0  }
0x78: {  	vm5 =	veq.s32 v47, v1;
	vm6 =	veq.s32 v47, v2;
	vm7 =	veq.s32 v47, v3  }
0x79: {  	vm8 =	veq.s32 v47, v4;
	vm9 =	veq.s32 v47, v5;
	vm10 =	veq.s32 v47, v6  }
0x7a: {  	vm11 =	veq.s32 v47, v7;
	v35 =	vsel vm12, v46, v35;
	v34 =	vsel vm13, v46, v34  }
0x7b: {  	v28 =	vsel vm14, v46, v28;
	v18 =	vsel vm15, v46, v18;
	v29 =	vsel vm4, $0xC0000000, v29  }
0x7c: {  	v30 =	vsel vm5, $0xC0000000, v30;
	v31 =	vsel vm6, $0xC0000000, v31;
	v33 =	vsel vm7, $0xC0000000, v33  }
0x7d: {  	v36 =	vsel vm8, $0xC0000000, v36;
	v37 =	vsel vm9, $0xC0000000, v37;
	v38 =	vsel vm10, $0xC0000000, v38  }
0x7e: {  	v39 =	vsel vm11, $0xC0000000, v39;
	v32 =	vsel vm12, v63, v32;
	v25 =	vsel vm13, v63, v25  }
0x7f: {  	p0 =	sne.s32 s9, $0x31;
	v17 =	vsel vm14, v63, v17;
	v12 =	vsel vm15, v63, v12;
	vm12 =	veq.s32 v62, v8  }
.Ltmp0:
0x80: {  	vm13 =	veq.s32 v62, v9;
	vm14 =	veq.s32 v62, v10;
	vm15 =	veq.s32 v62, v11;
	(pc) =	sbr.rel @p0 .LBB2_2-.Ltmp0, $4  }
0x81: {  	v23 =	vsel vm12, $0xC0000000, v23;
	v24 =	vsel vm13, $0xC0000000, v24;
	v26 =	vsel vm14, $0xC0000000, v26  }
0x82: {  	v27 =	vsel vm15, $0xC0000000, v27;
	vm12 =	veq.s32 v47, v8;
	vm13 =	veq.s32 v47, v9  }
0x83: {  	vm14 =	veq.s32 v47, v10;
	vm15 =	veq.s32 v47, v11;
	v40 =	vsel vm12, $0xC0000000, v40  }
0x84: {  	s9 =	sadd.s32 $0x1, s9;
	v41 =	vsel vm13, $0xC0000000, v41;
	v42 =	vsel vm14, $0xC0000000, v42;
	v43 =	vsel vm15, $0xC0000000, v43  }
0x85: {  	v13 =	vld [tilespmem:$0x180]  }
0x86: {  	v14 =	vld [tilespmem:$0x190]  }
0x87: {  	v15 =	vld [tilespmem:$0x1A0]  }
0x88: {  	v16 =	vld [tilespmem:$0x1B0]  }
0x89: {  	v19 =	vld [tilespmem:$0x1C0]  }
0x8a: {  	v20 =	vld [tilespmem:$0x1D0]  }
0x8b: {  	v21 =	vld [tilespmem:$0x1E0]  }
0x8c: {  	v22 =	vld [tilespmem:$0x1F0]  }
0x8d: {  	v23 =	vld [tilespmem:$0x200]  }
0x8e: {  	v24 =	vld [tilespmem:$0x210]  }
0x8f: {  	v26 =	vld [tilespmem:$0x220]  }
0x90: {  	v27 =	vld [tilespmem:$0x230]  }
0x91: {  	v29 =	vld [tilespmem:$0x240]  }
0x92: {  	v30 =	vld [tilespmem:$0x250]  }
0x93: {  	v31 =	vld [tilespmem:$0x260]  }
0x94: {  	v33 =	vld [tilespmem:$0x270]  }
0x95: {  	[tilespmem:$0x300] =	vst v35;
	v35 =	vld [tilespmem:$0x280]  }
0x96: {  	[tilespmem:$0x340] =	vst v32;
	v32 =	vld [tilespmem:$0x290]  }
0x97: {  	[tilespmem:$0x310] =	vst v34;
	v34 =	vld [tilespmem:$0x2A0]  }
0x98: {  	[tilespmem:$0x350] =	vst v25;
	v36 =	vld [tilespmem:$0x2B0]  }
0x99: {  	[tilespmem:$0x320] =	vst v28;
	v28 =	vld [tilespmem:$0x2C0]  }
0x9a: {  	[tilespmem:$0x360] =	vst v17;
	v37 =	vld [tilespmem:$0x2D0];
	v17 =	vimm.f32 $0.0e+00;
	v25 =	vimm.f32 $0.0e+00  }
0x9b: {  	[tilespmem:$0x330] =	vst v18;
	v40 =	vld [tilespmem:$0x2E0];
	v38 =	vimm.f32 $0.0e+00;
	v39 =	vimm.f32 $0.0e+00;
	v18 =	vimm.f32 $0.0e+00  }
0x9c: {  	[tilespmem:$0x370] =	vst v12;
	s9 =	simm.s32 $0x0;
	v42 =	vld [tilespmem:$0x2F0];
	v12 =	vimm.f32 $0.0e+00;
	v41 =	vimm.f32 $0.0e+00;
	v43 =	vimm.f32 $0.0e+00  }
.LBB2_4:
0x9d: {  	vm2 =	vge.f32 v14, v13  }
0x9e: {  	v44 =	vsel vm2, v14, v13  }
0x9f: {  	vm3 =	vge.f32 v15, v44  }
0xa0: {  	v44 =	vsel vm3, v15, v44  }
0xa1: {  	vm0 =	vge.f32 v30, v29;
	vm4 =	vge.f32 v16, v44  }
0xa2: {  	v45 =	vsel vm0, v30, v29;
	v44 =	vsel vm4, v16, v44  }
0xa3: {  	vm1 =	vge.f32 v31, v45;
	vm5 =	vge.f32 v19, v44  }
0xa4: {  	v45 =	vsel vm1, v31, v45;
	v44 =	vsel vm5, v19, v44  }
0xa5: {  	v46 =	vsel vm2, v1, v0;
	vm7 =	vge.f32 v33, v45;
	vm6 =	vge.f32 v20, v44  }
0xa6: {  	v47 =	vsel vm0, v1, v0;
	v45 =	vsel vm7, v33, v45;
	v44 =	vsel vm6, v20, v44  }
0xa7: {  	v46 =	vsel vm3, v2, v46;
	vm3 =	vge.f32 v35, v45;
	vm14 =	vge.f32 v21, v44  }
0xa8: {  	v46 =	vsel vm4, v3, v46;
	v45 =	vsel vm3, v35, v45;
	v44 =	vsel vm14, v21, v44  }
0xa9: {  	v46 =	vsel vm5, v4, v46;
	vm5 =	vge.f32 v32, v45;
	vm15 =	vge.f32 v22, v44  }
0xaa: {  	v47 =	vsel vm1, v2, v47;
	v45 =	vsel vm5, v32, v45;
	v44 =	vsel vm15, v22, v44  }
0xab: {  	v47 =	vsel vm7, v3, v47;
	vm10 =	vge.f32 v34, v45;
	vm9 =	vge.f32 v23, v44  }
0xac: {  	v47 =	vsel vm3, v4, v47;
	v45 =	vsel vm10, v34, v45;
	v44 =	vsel vm9, v23, v44  }
0xad: {  	v46 =	vsel vm6, v5, v46;
	vm12 =	vge.f32 v36, v45;
	vm11 =	vge.f32 v24, v44  }
0xae: {  	v47 =	vsel vm5, v5, v47;
	v45 =	vsel vm12, v36, v45;
	v44 =	vsel vm11, v24, v44  }
0xaf: {  	v46 =	vsel vm14, v6, v46;
	vm14 =	vge.f32 v28, v45;
	vm13 =	vge.f32 v26, v44  }
0xb0: {  	v46 =	vsel vm15, v7, v46;
	v45 =	vsel vm14, v28, v45;
	v44 =	vsel vm13, v26, v44  }
0xb1: {  	v46 =	vsel vm9, v8, v46;
	vm8 =	vge.f32 v37, v45;
	vm15 =	vge.f32 v27, v44  }
0xb2: {  	v46 =	vsel vm11, v9, v46;
	v45 =	vsel vm8, v37, v45;
	v44 =	vsel vm15, v27, v44  }
0xb3: {  	v47 =	vsel vm10, v6, v47;
	vm9 =	vge.f32 v40, v45;
	v46 =	vsel vm13, v10, v46;
	[tilespmem:$0x400] =	vst v44  }
0xb4: {  	v47 =	vsel vm12, v7, v47;
	v45 =	vsel vm9, v40, v45;
	v46 =	vsel vm15, v11, v46;
	[tilespmem:$0x410] =	vst v44  }
0xb5: {  	v47 =	vsel vm14, v8, v47;
	vm10 =	vge.f32 v42, v45;
	[tilespmem:$0x480] =	vst v46  }
0xb6: {  	v47 =	vsel vm8, v9, v47;
	v45 =	vsel vm10, v42, v45;
	[tilespmem:$0x490] =	vst v46;
	v48 =	vld [tilespmem:$0x408]  }
0xb7: {  	v47 =	vsel vm9, v10, v47;
	[tilespmem:$0x420] =	vst v45;
	v49 =	vld [tilespmem:$0x488]  }
0xb8: {  	v47 =	vsel vm10, v11, v47;
	[tilespmem:$0x430] =	vst v45  }
0xb9: {  	[tilespmem:$0x4A0] =	vst v47  }
0xba: {  	[tilespmem:$0x4B0] =	vst v47;
	v50 =	vld [tilespmem:$0x428]  }
0xbb: {  	v51 =	vld [tilespmem:$0x4A8]  }
0xbc: {  	vm11 =	veq.f32 v48, v44;
	vm12 =	vgt.s32 v49, v46  }
0xbd: {  	vm13 =	vgt.f32 v48, v44;
	vm0 =	vmand vm11, vm12  }
0xbe: {  	vm0 =	vmor vm13, vm0  }
0xbf: {  	v44 =	vsel vm0, v48, v44  }
0xc0: {  	vm14 =	veq.f32 v50, v45;
	vm15 =	vgt.s32 v51, v47;
	[tilespmem:$0x400] =	vst v44  }
0xc1: {  	vm4 =	vgt.f32 v50, v45;
	vm1 =	vmand vm14, vm15;
	v46 =	vsel vm0, v49, v46;
	[tilespmem:$0x410] =	vst v44  }
0xc2: {  	vm0 =	vmor vm4, vm1;
	[tilespmem:$0x480] =	vst v46  }
0xc3: {  	[tilespmem:$0x490] =	vst v46;
	v45 =	vsel vm0, v50, v45;
	v59 =	vld [tilespmem:$0x404]  }
0xc4: {  	v60 =	vld [tilespmem:$0x484];
	[tilespmem:$0x420] =	vst v45  }
0xc5: {  	v47 =	vsel vm0, v51, v47;
	[tilespmem:$0x430] =	vst v45  }
0xc6: {  	[tilespmem:$0x4A0] =	vst v47  }
0xc7: {  	[tilespmem:$0x4B0] =	vst v47;
	v61 =	vld [tilespmem:$0x424]  }
0xc8: {  	v62 =	vld [tilespmem:$0x4A4]  }
0xc9: {  	vm5 =	veq.f32 v59, v44;
	vm6 =	vgt.s32 v60, v46  }
0xca: {  	vm7 =	vgt.f32 v59, v44;
	vm0 =	vmand vm5, vm6  }
0xcb: {  	vm0 =	vmor vm7, vm0  }
0xcc: {  	v44 =	vsel vm0, v59, v44  }
0xcd: {  	vm8 =	veq.f32 v61, v45;
	vm9 =	vgt.s32 v62, v47;
	[tilespmem:$0x400] =	vst v44  }
0xce: {  	vm10 =	vgt.f32 v61, v45;
	vm1 =	vmand vm8, vm9;
	v46 =	vsel vm0, v60, v46;
	[tilespmem:$0x410] =	vst v44  }
0xcf: {  	vm0 =	vmor vm10, vm1;
	[tilespmem:$0x480] =	vst v46  }
0xd0: {  	[tilespmem:$0x490] =	vst v46;
	v45 =	vsel vm0, v61, v45;
	v63 =	vld [tilespmem:$0x402]  }
0xd1: {  	v54 =	vld [tilespmem:$0x482];
	[tilespmem:$0x420] =	vst v45  }
0xd2: {  	v47 =	vsel vm0, v62, v47;
	[tilespmem:$0x430] =	vst v45  }
0xd3: {  	[tilespmem:$0x4A0] =	vst v47  }
0xd4: {  	[tilespmem:$0x4B0] =	vst v47;
	v55 =	vld [tilespmem:$0x422]  }
0xd5: {  	v56 =	vld [tilespmem:$0x4A2]  }
0xd6: {  	vm11 =	veq.f32 v63, v44;
	vm12 =	vgt.s32 v54, v46  }
0xd7: {  	vm13 =	vgt.f32 v63, v44;
	vm0 =	vmand vm11, vm12  }
0xd8: {  	vm0 =	vmor vm13, vm0  }
0xd9: {  	v44 =	vsel vm0, v63, v44  }
0xda: {  	vm14 =	veq.f32 v55, v45;
	vm15 =	vgt.s32 v56, v47;
	[tilespmem:$0x400] =	vst v44  }
0xdb: {  	vm4 =	vgt.f32 v55, v45;
	vm1 =	vmand vm14, vm15;
	v46 =	vsel vm0, v54, v46;
	[tilespmem:$0x410] =	vst v44  }
0xdc: {  	vm0 =	vmor vm4, vm1;
	[tilespmem:$0x480] =	vst v46  }
0xdd: {  	[tilespmem:$0x490] =	vst v46;
	v45 =	vsel vm0, v55, v45  }
0xde: {  	[tilespmem:$0x420] =	vst v45  }
0xdf: {  	v47 =	vsel vm0, v56, v47;
	v57 =	vld [tilespmem:$0x401];
	[tilespmem:$0x430] =	vst v45  }
0xe0: {  	v58 =	vld [tilespmem:$0x481];
	[tilespmem:$0x4A0] =	vst v47  }
0xe1: {  	[tilespmem:$0x4B0] =	vst v47;
	v59 =	vld [tilespmem:$0x421]  }
0xe2: {  	v60 =	vld [tilespmem:$0x4A1];
	_ =	sdelay $0x2  }
0xe3: {  	v61 =	vmov s9;
	vm5 =	veq.f32 v57, v44;
	vm6 =	vgt.s32 v58, v46  }
0xe4: {  	vm7 =	vgt.f32 v57, v44;
	v44 =	vsub.s32 $0x31, v61;
	vm0 =	vmand vm5, vm6  }
0xe5: {  	vm8 =	vgt.f32 v59, v45;
	vm9 =	veq.f32 v59, v45;
	vm10 =	vgt.s32 v60, v47  }
0xe6: {  	v44 =	vbroadcast v44, $0x0;
	vm0 =	vmor vm7, vm0;
	vm11 =	vmand vm9, vm10  }
0xe7: {  	v62 =	vsel vm0, v58, v46;
	vm0 =	vmor vm8, vm11  }
0xe8: {  	vm12 =	veq.s32 v44, v0;
	vm13 =	veq.s32 v44, v1;
	vm14 =	veq.s32 v44, v2  }
0xe9: {  	vm15 =	veq.s32 v44, v3;
	v46 =	vcvt.s32.f32 v62;
	v47 =	vsel vm0, v60, v47  }
0xea: {  	vm4 =	veq.s32 v62, v0;
	vm5 =	veq.s32 v62, v1;
	vm6 =	veq.s32 v62, v2  }
0xeb: {  	vm7 =	veq.s32 v62, v3;
	vm8 =	veq.s32 v62, v4;
	vm9 =	veq.s32 v62, v5  }
0xec: {  	vm10 =	veq.s32 v62, v6;
	vm11 =	veq.s32 v62, v7;
	v63 =	vcvt.s32.f32 v47  }
0xed: {  	v13 =	vsel vm4, $0xC0000000, v13;
	v14 =	vsel vm5, $0xC0000000, v14;
	v15 =	vsel vm6, $0xC0000000, v15  }
0xee: {  	v16 =	vsel vm7, $0xC0000000, v16;
	v19 =	vsel vm8, $0xC0000000, v19;
	v20 =	vsel vm9, $0xC0000000, v20  }
0xef: {  	v21 =	vsel vm10, $0xC0000000, v21;
	v22 =	vsel vm11, $0xC0000000, v22;
	vm4 =	veq.s32 v47, v0  }
0xf0: {  	vm5 =	veq.s32 v47, v1;
	vm6 =	veq.s32 v47, v2;
	vm7 =	veq.s32 v47, v3  }
0xf1: {  	vm8 =	veq.s32 v47, v4;
	vm9 =	veq.s32 v47, v5;
	vm10 =	veq.s32 v47, v6  }
0xf2: {  	vm11 =	veq.s32 v47, v7;
	v43 =	vsel vm12, v46, v43;
	v41 =	vsel vm13, v46, v41  }
0xf3: {  	v12 =	vsel vm14, v46, v12;
	v18 =	vsel vm15, v46, v18;
	v29 =	vsel vm4, $0xC0000000, v29  }
0xf4: {  	v30 =	vsel vm5, $0xC0000000, v30;
	v31 =	vsel vm6, $0xC0000000, v31;
	v33 =	vsel vm7, $0xC0000000, v33  }
0xf5: {  	v35 =	vsel vm8, $0xC0000000, v35;
	v32 =	vsel vm9, $0xC0000000, v32;
	v34 =	vsel vm10, $0xC0000000, v34  }
0xf6: {  	v36 =	vsel vm11, $0xC0000000, v36;
	v39 =	vsel vm12, v63, v39;
	v38 =	vsel vm13, v63, v38  }
0xf7: {  	p0 =	sne.s32 s9, $0x31;
	v25 =	vsel vm14, v63, v25;
	v17 =	vsel vm15, v63, v17;
	vm12 =	veq.s32 v62, v8  }
.Ltmp1:
0xf8: {  	vm13 =	veq.s32 v62, v9;
	vm14 =	veq.s32 v62, v10;
	vm15 =	veq.s32 v62, v11;
	(pc) =	sbr.rel @p0 .LBB2_4-.Ltmp1, $4  }
0xf9: {  	v23 =	vsel vm12, $0xC0000000, v23;
	v24 =	vsel vm13, $0xC0000000, v24;
	v26 =	vsel vm14, $0xC0000000, v26  }
0xfa: {  	v27 =	vsel vm15, $0xC0000000, v27;
	vm12 =	veq.s32 v47, v8;
	vm13 =	veq.s32 v47, v9  }
0xfb: {  	vm14 =	veq.s32 v47, v10;
	vm15 =	veq.s32 v47, v11;
	v28 =	vsel vm12, $0xC0000000, v28  }
0xfc: {  	s9 =	sadd.s32 $0x1, s9;
	v37 =	vsel vm13, $0xC0000000, v37;
	v40 =	vsel vm14, $0xC0000000, v40;
	v42 =	vsel vm15, $0xC0000000, v42  }
0xfd: {  	[tilespmem:$0x380] =	vst v43  }
0xfe: {  	[tilespmem:$0x3C0] =	vst v39  }
0xff: {  	[tilespmem:$0x390] =	vst v41  }
0x100: {  	[tilespmem:$0x3D0] =	vst v38  }
0x101: {  	[tilespmem:$0x3A0] =	vst v12  }
0x102: {  	[tilespmem:$0x3E0] =	vst v25;
	s8 =	sadd.s32 $0x1, s8  }
0x103: {  	[tilespmem:$0x3B0] =	vst v18;
	p0 =	sne.s32 s8, s5  }
.Ltmp2:
0x104: {  	[tilespmem:$0x3F0] =	vst v17;
	(pc) =	sbr.rel @p0 .LBB2_1-.Ltmp2, $4  }
0x105: {  	[hbm4b:s4+s2] =	stream.linear.scatter [tilespmem:s7], [sflag:$0x1], $0x100, $0x38;
	[tilespmem:$0x500] =	vst v63  }
0x106: {  	_ =	swait.ge [sflag:s6], $0x100  }
0x107: {  	[sflag:s6] =	ssyncset.done $0x0  }
0x108: {  	[sflag:s6] =	ssyncadd.s32 $0xFFFFFF00  }
0x109: {  	_ =	sfence.sel $0x180000  }
0x10a: {  	[bflag:$0x0] =	sbarrier.arrive $0xFFFF  }
0x10b: {  	p0 =	sne.s32 s0, $0x0;
	_ =	strace $0x90000047  }
0x10c: {  	s0 =	sadd.s32 @!p0 $0x100000, s1;
	[bflag:$0x2] =	sbarrier.arrive $0xFFFF  }
0x10d: {  	[sflag:s0] =	ssyncadd.tile.s32 @!p0 $0x1;
	_ =	shalt  }
.Lfunc_end2:
_tile_overlayer_lowered:
.L_overlay_start_2:
0x10e: {  	(tag) =	ssettag $0x2  }
0x10f: {  	s0 =	rddreg [dreg:$0x0];
	s2 =	stileid.u32  }
0x110: {  	s1 =	rddreg [dreg:$0x1];
	p0 =	sne.s32 s2, $0x0  }
0x111: {  	s3 =	rddreg [dreg:$0x2];
	[bflag:$0x3] =	sbarrier.arrive $0xFFFF;
	s2 =	simm.s32 @!p0 $0x1C01  }
0x112: {  	[timem:s3], [sflag:s2] =	dma.local @!p0 [hbm:s0], s1  }
0x113: {  	s0 =	simm.s32 @!p0 $0x1  }
0x114: {  	_ =	swait.ge @!p0 [sflag:s0], s1  }
0x115: {  	s1 =	ssub.s32 @!p0 $0x0, s1;
	[sflag:s0] =	ssyncset.done @!p0 $0x0  }
0x116: {  	[sflag:s0] =	ssyncadd.s32 @!p0 s1  }
0x117: {  	[bflag:$0x3] =	sbarrier.arrive $0xFFFF  }
0x118: {  	_ =	shalt  }

</sc_bundles>
